<compile_context>
chip_gen: v7x
topology: tpu7x:2x2x1
jax: 0.10.2.dev20260603
libtpu: 0.0.44.dev20260713+nightly
codegen_flags: <defaults>
</compile_context>

<pallas_src>
import jax
import jax.numpy as jnp
from jax import lax
from jax.experimental import pallas as pl
from jax.experimental.pallas import tpu as pltpu
from jax.experimental.pallas import tpu_sc as plsc

B = 4096
S = 200
DIM = 64
N = B * S
NC = 2
NS = 16
NW = NC * NS
PER_W = N // NW
CHUNK = 256
NCHUNKS = PER_W // CHUNK
IW = 128
NSTREAM = CHUNK // IW
UNROLL = 4


def _rsqrt_nr(x):
    i = plsc.bitcast(x, jnp.int32)
    i = jnp.int32(0x5F3759DF) - lax.shift_right_arithmetic(i, 1)
    y = plsc.bitcast(i, jnp.float32)
    for _ in range(3):
        y = y * (1.5 - 0.5 * x * y * y)
    return y


def _sc_body(ids_hbm, gidx_hbm, word_hbm, graph_hbm, post_hbm,
             gam_hbm, bet_hbm, out_hbm,
             idxw, idxg, rows, grows, obuf, post_v, gam_v, bet_v,
             semg, semo):
    cid = lax.axis_index("c")
    sid = lax.axis_index("s")
    wid = sid * NC + cid
    base = wid * PER_W

    pltpu.sync_copy(post_hbm.at[pl.ds(0, S)], post_v)
    pltpu.sync_copy(gam_hbm, gam_v)
    pltpu.sync_copy(bet_hbm, bet_v)
    g = [gam_v[pl.ds(16 * k, 16)] for k in range(4)]
    bt = [bet_v[pl.ds(16 * k, 16)] for k in range(4)]

    def fire(c, b):
        row0 = wid * (PER_W // IW) + c * NSTREAM
        pltpu.sync_copy(ids_hbm.at[pl.ds(row0, NSTREAM)], idxw[b])
        pltpu.sync_copy(gidx_hbm.at[pl.ds(row0, NSTREAM)], idxg[b])
        for j in range(NSTREAM):
            pltpu.async_copy(word_hbm.at[idxw[b].at[j]],
                             rows[b].at[pl.ds(j * IW, IW)], semg[b])
            pltpu.async_copy(graph_hbm.at[idxg[b].at[j]],
                             grows[b].at[pl.ds(j * IW, IW)], semg[b])

    def drain(b):
        for j in range(NSTREAM):
            pltpu.make_async_copy(word_hbm.at[idxw[b].at[j]],
                                  rows[b].at[pl.ds(j * IW, IW)], semg[b]).wait()
            pltpu.make_async_copy(graph_hbm.at[idxg[b].at[j]],
                                  grows[b].at[pl.ds(j * IW, IW)],
                                  semg[b]).wait()

    def out_desc(c, b):
        return pltpu.make_async_copy(
            obuf[b], out_hbm.at[pl.ds(base + c * CHUNK, CHUNK)], semo[b])

    def compute(c, b):
        r0 = lax.rem(c * CHUNK, S)
        rows_b, grows_b, obuf_b = rows[b], grows[b], obuf[b]

        @plsc.parallel_loop(0, CHUNK, unroll=UNROLL)
        def body(t):
            p = lax.rem(t + r0, S)
            x = [rows_b[t, pl.ds(16 * k, 16)] + grows_b[t, pl.ds(16 * k, 16)]
                 + post_v[p, pl.ds(16 * k, 16)] for k in range(4)]
            sv = (x[0] + x[1]) + (x[2] + x[3])
            qv = (x[0] * x[0] + x[1] * x[1]) + (x[2] * x[2] + x[3] * x[3])
            mean = jnp.sum(sv) * (1.0 / DIM)
            var = jnp.sum(qv) * (1.0 / DIM) - mean * mean
            mb = jnp.broadcast_to(mean, (16,))
            rin = _rsqrt_nr(jnp.broadcast_to(var + 1e-12, (16,)))
            for k in range(4):
                obuf_b[t, pl.ds(16 * k, 16)] = (x[k] - mb) * rin * g[k] + bt[k]

    def step(c, b, gi):
        def _fire_next():
            fire(c + 1, 1 - b)

        if b == 0:
            _fire_next()
        else:
            pl.when(gi < NCHUNKS // 2 - 1)(_fire_next)

        drain(b)

        @pl.when(gi >= 1)
        def _():
            out_desc(0, b).wait()
        compute(c, b)
        out_desc(c, b).start()

    fire(0, 0)

    def outer(gi, carry):
        step(2 * gi, 0, gi)
        step(2 * gi + 1, 1, gi)
        return carry

    lax.fori_loop(0, NCHUNKS // 2, outer, 0)
    out_desc(0, 0).wait()
    out_desc(0, 1).wait()


@jax.jit
def _run(ids2d, gidx2d, word_table, graph_table, post_table, gamma, beta):
    mesh = plsc.VectorSubcoreMesh(core_axis_name="c", subcore_axis_name="s",
                                  num_cores=NC, num_subcores=NS)
    f = pl.kernel(
        _sc_body,
        out_type=jax.ShapeDtypeStruct((N, DIM), jnp.float32),
        mesh=mesh,
        scratch_types=[
            [pltpu.VMEM((NSTREAM, IW), jnp.int32) for _ in range(2)],
            [pltpu.VMEM((NSTREAM, IW), jnp.int32) for _ in range(2)],
            [pltpu.VMEM((CHUNK, DIM), jnp.float32) for _ in range(2)],
            [pltpu.VMEM((CHUNK, DIM), jnp.float32) for _ in range(2)],
            [pltpu.VMEM((CHUNK, DIM), jnp.float32) for _ in range(2)],
            pltpu.VMEM((S, DIM), jnp.float32),
            pltpu.VMEM((DIM,), jnp.float32),
            pltpu.VMEM((DIM,), jnp.float32),
            [pltpu.SemaphoreType.DMA for _ in range(2)],
            [pltpu.SemaphoreType.DMA for _ in range(2)],
        ],
        compiler_params=pltpu.CompilerParams(
            needs_layout_passes=False, use_tc_tiling_on_sc=False),
    )
    return f(ids2d, gidx2d, word_table, graph_table, post_table, gamma, beta)


def kernel(input_ids, pos_ids, word_table, position_table, graph_pos_table,
           gamma, beta):
    ids2d = input_ids.astype(jnp.int32).reshape(N // IW, IW)
    gidx2d = pos_ids.astype(jnp.int32).reshape(N // IW, IW)
    out = _run(ids2d, gidx2d, word_table, graph_pos_table, position_table,
               gamma, beta)
    return out.reshape(B, S, DIM)

# --- scband reference (transcript-rebuilt; emitter-appended) ---
"""Pipeline reference for scband-graph-embeddings-65171833750105 (READ-ONLY COPY).

The authoritative reference and input builder live on the scoring server;
editing this copy changes nothing except your own understanding.
"""

import jax, jax.numpy as jnp
import numpy as np

VOCAB = 1000000
DIM = 64
MAX_POS = 512
GRAPH_POS = 512
B = 4096
S = 200

def setup_inputs(seed: int = 0) -> dict:
    key = jax.random.key(seed)
    k1, k2, k3, k4, k5 = jax.random.split(key, 5)
    input_ids = jax.random.randint(k1, (B, S), 0, VOCAB, dtype=jnp.int64 if jax.config.jax_enable_x64 else jnp.int32)
    pos_ids = jax.random.randint(k2, (B, S), 0, GRAPH_POS, dtype=jnp.int64 if jax.config.jax_enable_x64 else jnp.int32)
    word_table = jax.random.normal(k3, (VOCAB, DIM), dtype=jnp.float32) * 0.02
    position_table = jax.random.normal(k4, (MAX_POS, DIM), dtype=jnp.float32) * 0.02
    graph_pos_table = jax.random.normal(k5, (GRAPH_POS, DIM), dtype=jnp.float32) * 0.02
    gamma = jnp.ones((DIM,), dtype=jnp.float32)
    beta = jnp.zeros((DIM,), dtype=jnp.float32)
    return {
        "input_ids": input_ids,
        "pos_ids": pos_ids,
        "word_table": word_table,
        "position_table": position_table,
        "graph_pos_table": graph_pos_table,
        "gamma": gamma,
        "beta": beta,
    }

def _layer_norm(x, gamma, beta, eps=1e-12):
    mean = jnp.mean(x, axis=-1, keepdims=True)
    var = jnp.mean(jnp.square(x - mean), axis=-1, keepdims=True)
    xhat = (x - mean) / jnp.sqrt(var + eps)
    return xhat * gamma + beta

def reference(input_ids, pos_ids, word_table, position_table, graph_pos_table, gamma, beta):
    seq_length = input_ids.shape[1]
    position_ids = jnp.arange(seq_length, dtype=input_ids.dtype)
    position_ids = jnp.broadcast_to(position_ids[None, :], input_ids.shape)
    word_embeddings = jnp.take(word_table, input_ids, axis=0)
    graph_pos_embeddings = jnp.take(graph_pos_table, pos_ids, axis=0)
    word_embeddings = word_embeddings + graph_pos_embeddings
    position_embeddings = jnp.take(position_table, position_ids, axis=0)
    embeddings = word_embeddings + position_embeddings
    embeddings = _layer_norm(embeddings, gamma, beta, eps=1e-12)
    # dropout is identity in eval mode
    return embeddings

if __name__ == "__main__":
    import jax
    _d = setup_inputs()
    print(jax.jit(kernel)(*tuple(_d.values())))

</pallas_src>

<mosaic_0001>
#map = affine_map<(d0, d1) -> (0, 0)>
#map1 = affine_map<(d0, d1) -> (0)>
module attributes {stable_mosaic.version = 14 : i64} {
  func.func @_sc_body(%arg0: i32, %arg1: i32, %arg2: memref<6400x128xi32, #tpu.memory_space<hbm>>, %arg3: memref<6400x128xi32, #tpu.memory_space<hbm>>, %arg4: memref<1000000x64xf32, #tpu.memory_space<hbm>>, %arg5: memref<512x64xf32, #tpu.memory_space<hbm>>, %arg6: memref<512x64xf32, #tpu.memory_space<hbm>>, %arg7: memref<64xf32, #tpu.memory_space<hbm>>, %arg8: memref<64xf32, #tpu.memory_space<hbm>>, %arg9: memref<819200x64xf32, #tpu.memory_space<hbm>>, %arg10: memref<2x128xi32, #tpu.memory_space<vmem>>, %arg11: memref<2x128xi32, #tpu.memory_space<vmem>>, %arg12: memref<2x128xi32, #tpu.memory_space<vmem>>, %arg13: memref<2x128xi32, #tpu.memory_space<vmem>>, %arg14: memref<256x64xf32, #tpu.memory_space<vmem>>, %arg15: memref<256x64xf32, #tpu.memory_space<vmem>>, %arg16: memref<256x64xf32, #tpu.memory_space<vmem>>, %arg17: memref<256x64xf32, #tpu.memory_space<vmem>>, %arg18: memref<256x64xf32, #tpu.memory_space<vmem>>, %arg19: memref<256x64xf32, #tpu.memory_space<vmem>>, %arg20: memref<200x64xf32, #tpu.memory_space<vmem>>, %arg21: memref<64xf32, #tpu.memory_space<vmem>>, %arg22: memref<64xf32, #tpu.memory_space<vmem>>, %arg23: memref<!tpu.dma_semaphore, #tpu.memory_space<semaphore_mem>>, %arg24: memref<!tpu.dma_semaphore, #tpu.memory_space<semaphore_mem>>, %arg25: memref<!tpu.dma_semaphore, #tpu.memory_space<semaphore_mem>>, %arg26: memref<!tpu.dma_semaphore, #tpu.memory_space<semaphore_mem>>) attributes {dimension_semantics = [#tpu.dimension_semantics<core_parallel>, #tpu.dimension_semantics<subcore_parallel>], iteration_bounds = array<i64: 2, 16>, scalar_prefetch = 0 : i64, scratch_operands = 17 : i64, tpu.core_type = #tpu.core_type<sc_vector_subcore>, window_params = [{transform_indices = #map}, {transform_indices = #map}, {transform_indices = #map}, {transform_indices = #map}, {transform_indices = #map}, {transform_indices = #map1}, {transform_indices = #map1}, {transform_indices = #map}]} {
    %mul3A = arith.constant 2 : i32
    %mul3A_0 = arith.muli %arg1, %mul3A : i32
    %add3A = arith.addi %mul3A_0, %arg0 : i32
    %mul3A_1 = arith.constant 25600 : i32
    %mul3A_2 = arith.muli %add3A, %mul3A_1 : i32
    "tpu.region"() ({
      %run_scoped3A = tpu.sem_alloc : memref<!tpu.dma_semaphore, #tpu.memory_space<semaphore_mem>>
      %dma_start3A_77 = arith.constant 0 : i32
      %dma_start3A_78 = arith.constant 0 : i32
      %dma_start3A_79 = tpu.memref_slice %arg6[%dma_start3A_77, %dma_start3A_78] : memref<512x64xf32, #tpu.memory_space<hbm>> -> memref<200x64xf32, #tpu.memory_space<hbm>>
      %dma_start3A_80 = arith.constant 0 : i32
      %dma_start3A_81 = arith.constant 0 : i32
      %dma_start3A_82 = tpu.memref_slice %arg6[%dma_start3A_80, %dma_start3A_81] : memref<512x64xf32, #tpu.memory_space<hbm>> -> memref<200x64xf32, #tpu.memory_space<hbm>>
      tpu.enqueue_dma source(%dma_start3A_82 : memref<200x64xf32, #tpu.memory_space<hbm>>) target(%arg20 : memref<200x64xf32, #tpu.memory_space<vmem>>) target_semaphore(%run_scoped3A : memref<!tpu.dma_semaphore, #tpu.memory_space<semaphore_mem>>)
      %dma_wait3A_83 = arith.constant 0 : i32
      %dma_wait3A_84 = arith.constant 0 : i32
      %dma_wait3A_85 = tpu.memref_slice %arg6[%dma_wait3A_83, %dma_wait3A_84] : memref<512x64xf32, #tpu.memory_space<hbm>> -> memref<200x64xf32, #tpu.memory_space<hbm>>
      %dma_wait3A_86 = arith.constant 0 : i32
      %dma_wait3A_87 = arith.constant 0 : i32
      %dma_wait3A_88 = tpu.memref_slice %arg6[%dma_wait3A_86, %dma_wait3A_87] : memref<512x64xf32, #tpu.memory_space<hbm>> -> memref<200x64xf32, #tpu.memory_space<hbm>>
      tpu.wait_dma2 semaphore(%run_scoped3A : memref<!tpu.dma_semaphore, #tpu.memory_space<semaphore_mem>>) src(%dma_wait3A_88 : memref<200x64xf32, #tpu.memory_space<hbm>>) dst(%arg20 : memref<200x64xf32, #tpu.memory_space<vmem>>)
      tpu.yield
    }) : () -> ()
    "tpu.region"() ({
      %run_scoped3A = tpu.sem_alloc : memref<!tpu.dma_semaphore, #tpu.memory_space<semaphore_mem>>
      tpu.enqueue_dma source(%arg7 : memref<64xf32, #tpu.memory_space<hbm>>) target(%arg21 : memref<64xf32, #tpu.memory_space<vmem>>) target_semaphore(%run_scoped3A : memref<!tpu.dma_semaphore, #tpu.memory_space<semaphore_mem>>)
      tpu.wait_dma2 semaphore(%run_scoped3A : memref<!tpu.dma_semaphore, #tpu.memory_space<semaphore_mem>>) src(%arg7 : memref<64xf32, #tpu.memory_space<hbm>>) dst(%arg21 : memref<64xf32, #tpu.memory_space<vmem>>)
      tpu.yield
    }) : () -> ()
    "tpu.region"() ({
      %run_scoped3A = tpu.sem_alloc : memref<!tpu.dma_semaphore, #tpu.memory_space<semaphore_mem>>
      tpu.enqueue_dma source(%arg8 : memref<64xf32, #tpu.memory_space<hbm>>) target(%arg22 : memref<64xf32, #tpu.memory_space<vmem>>) target_semaphore(%run_scoped3A : memref<!tpu.dma_semaphore, #tpu.memory_space<semaphore_mem>>)
      tpu.wait_dma2 semaphore(%run_scoped3A : memref<!tpu.dma_semaphore, #tpu.memory_space<semaphore_mem>>) src(%arg8 : memref<64xf32, #tpu.memory_space<hbm>>) dst(%arg22 : memref<64xf32, #tpu.memory_space<vmem>>)
      tpu.yield
    }) : () -> ()
    %get3A = arith.constant 0 : index
    %get3A_3 = tpu.vector_load %arg21[%get3A] {strides = array<i32>} : memref<64xf32, #tpu.memory_space<vmem>>, vector<16xf32>,
    %get3A_4 = arith.constant 16 : index
    %get3A_5 = tpu.vector_load %arg21[%get3A_4] {strides = array<i32>} : memref<64xf32, #tpu.memory_space<vmem>>, vector<16xf32>,
    %get3A_6 = arith.constant 32 : index
    %get3A_7 = tpu.vector_load %arg21[%get3A_6] {strides = array<i32>} : memref<64xf32, #tpu.memory_space<vmem>>, vector<16xf32>,
    %get3A_8 = arith.constant 48 : index
    %get3A_9 = tpu.vector_load %arg21[%get3A_8] {strides = array<i32>} : memref<64xf32, #tpu.memory_space<vmem>>, vector<16xf32>,
    %get3A_10 = arith.constant 0 : index
    %get3A_11 = tpu.vector_load %arg22[%get3A_10] {strides = array<i32>} : memref<64xf32, #tpu.memory_space<vmem>>, vector<16xf32>,
    %get3A_12 = arith.constant 16 : index
    %get3A_13 = tpu.vector_load %arg22[%get3A_12] {strides = array<i32>} : memref<64xf32, #tpu.memory_space<vmem>>, vector<16xf32>,
    %get3A_14 = arith.constant 32 : index
    %get3A_15 = tpu.vector_load %arg22[%get3A_14] {strides = array<i32>} : memref<64xf32, #tpu.memory_space<vmem>>, vector<16xf32>,
    %get3A_16 = arith.constant 48 : index
    %get3A_17 = tpu.vector_load %arg22[%get3A_16] {strides = array<i32>} : memref<64xf32, #tpu.memory_space<vmem>>, vector<16xf32>,
    %mul3A_18 = arith.constant 200 : i32
    %mul3A_19 = arith.muli %add3A, %mul3A_18 : i32
    %add3A_20 = arith.constant 0 : i32
    %add3A_21 = arith.addi %mul3A_19, %add3A_20 : i32
    "tpu.region"() ({
      %run_scoped3A = tpu.sem_alloc : memref<!tpu.dma_semaphore, #tpu.memory_space<semaphore_mem>>
      %dma_start3A_77 = arith.constant 0 : i32
      %dma_start3A_78 = tpu.memref_slice %arg2[%add3A_21, %dma_start3A_77] : memref<6400x128xi32, #tpu.memory_space<hbm>> -> memref<2x128xi32, #tpu.memory_space<hbm>>
      %dma_start3A_79 = arith.constant 0 : i32
      %dma_start3A_80 = tpu.memref_slice %arg2[%add3A_21, %dma_start3A_79] : memref<6400x128xi32, #tpu.memory_space<hbm>> -> memref<2x128xi32, #tpu.memory_space<hbm>>
      tpu.enqueue_dma source(%dma_start3A_80 : memref<2x128xi32, #tpu.memory_space<hbm>>) target(%arg10 : memref<2x128xi32, #tpu.memory_space<vmem>>) target_semaphore(%run_scoped3A : memref<!tpu.dma_semaphore, #tpu.memory_space<semaphore_mem>>)
      %dma_wait3A_81 = arith.constant 0 : i32
      %dma_wait3A_82 = tpu.memref_slice %arg2[%add3A_21, %dma_wait3A_81] : memref<6400x128xi32, #tpu.memory_space<hbm>> -> memref<2x128xi32, #tpu.memory_space<hbm>>
      %dma_wait3A_83 = arith.constant 0 : i32
      %dma_wait3A_84 = tpu.memref_slice %arg2[%add3A_21, %dma_wait3A_83] : memref<6400x128xi32, #tpu.memory_space<hbm>> -> memref<2x128xi32, #tpu.memory_space<hbm>>
      tpu.wait_dma2 semaphore(%run_scoped3A : memref<!tpu.dma_semaphore, #tpu.memory_space<semaphore_mem>>) src(%dma_wait3A_84 : memref<2x128xi32, #tpu.memory_space<hbm>>) dst(%arg10 : memref<2x128xi32, #tpu.memory_space<vmem>>)
      tpu.yield
    }) : () -> ()
    "tpu.region"() ({
      %run_scoped3A = tpu.sem_alloc : memref<!tpu.dma_semaphore, #tpu.memory_space<semaphore_mem>>
      %dma_start3A_77 = arith.constant 0 : i32
      %dma_start3A_78 = tpu.memref_slice %arg3[%add3A_21, %dma_start3A_77] : memref<6400x128xi32, #tpu.memory_space<hbm>> -> memref<2x128xi32, #tpu.memory_space<hbm>>
      %dma_start3A_79 = arith.constant 0 : i32
      %dma_start3A_80 = tpu.memref_slice %arg3[%add3A_21, %dma_start3A_79] : memref<6400x128xi32, #tpu.memory_space<hbm>> -> memref<2x128xi32, #tpu.memory_space<hbm>>
      tpu.enqueue_dma source(%dma_start3A_80 : memref<2x128xi32, #tpu.memory_space<hbm>>) target(%arg12 : memref<2x128xi32, #tpu.memory_space<vmem>>) target_semaphore(%run_scoped3A : memref<!tpu.dma_semaphore, #tpu.memory_space<semaphore_mem>>)
      %dma_wait3A_81 = arith.constant 0 : i32
      %dma_wait3A_82 = tpu.memref_slice %arg3[%add3A_21, %dma_wait3A_81] : memref<6400x128xi32, #tpu.memory_space<hbm>> -> memref<2x128xi32, #tpu.memory_space<hbm>>
      %dma_wait3A_83 = arith.constant 0 : i32
      %dma_wait3A_84 = tpu.memref_slice %arg3[%add3A_21, %dma_wait3A_83] : memref<6400x128xi32, #tpu.memory_space<hbm>> -> memref<2x128xi32, #tpu.memory_space<hbm>>
      tpu.wait_dma2 semaphore(%run_scoped3A : memref<!tpu.dma_semaphore, #tpu.memory_space<semaphore_mem>>) src(%dma_wait3A_84 : memref<2x128xi32, #tpu.memory_space<hbm>>) dst(%arg12 : memref<2x128xi32, #tpu.memory_space<vmem>>)
      tpu.yield
    }) : () -> ()
    %dma_start3A = arith.constant 0 : i32
    %dma_start3A_22 = arith.constant 0 : i32
    %dma_start3A_23 = arith.constant 0 : i32
    %dma_start3A_24 = tpu.memref_slice %arg14[%dma_start3A_22, %dma_start3A_23] : memref<256x64xf32, #tpu.memory_space<vmem>> -> memref<128x64xf32, #tpu.memory_space<vmem>>
    %dma_start3A_25 = arith.constant 0 : i32
    %dma_start3A_26 = tpu.memref_slice %arg10[%dma_start3A, %dma_start3A_25] : memref<2x128xi32, #tpu.memory_space<vmem>> -> memref<1x128xi32, #tpu.memory_space<vmem>>
    %dma_start3A_27 = tpu.memref_squeeze %dma_start3A_26 : memref<1x128xi32, #tpu.memory_space<vmem>> -> memref<128xi32, #tpu.memory_space<vmem>>
    %dma_start3A_28 = arith.constant 0 : i32
    %dma_start3A_29 = arith.constant 0 : i32
    %dma_start3A_30 = tpu.memref_slice %arg4[%dma_start3A_28, %dma_start3A_29] : memref<1000000x64xf32, #tpu.memory_space<hbm>> -> memref<1000000x64xf32, #tpu.memory_space<hbm>>
    tpu.enqueue_indirect_dma source(%dma_start3A_30 : memref<1000000x64xf32, #tpu.memory_space<hbm>>) target(%dma_start3A_24 : memref<128x64xf32, #tpu.memory_space<vmem>>) offsets(%dma_start3A_27 : memref<128xi32, #tpu.memory_space<vmem>>) semaphore(%arg23 : memref<!tpu.dma_semaphore, #tpu.memory_space<semaphore_mem>>)
    %dma_start3A_31 = arith.constant 0 : i32
    %dma_start3A_32 = arith.constant 0 : i32
    %dma_start3A_33 = arith.constant 0 : i32
    %dma_start3A_34 = tpu.memref_slice %arg16[%dma_start3A_32, %dma_start3A_33] : memref<256x64xf32, #tpu.memory_space<vmem>> -> memref<128x64xf32, #tpu.memory_space<vmem>>
    %dma_start3A_35 = arith.constant 0 : i32
    %dma_start3A_36 = tpu.memref_slice %arg12[%dma_start3A_31, %dma_start3A_35] : memref<2x128xi32, #tpu.memory_space<vmem>> -> memref<1x128xi32, #tpu.memory_space<vmem>>
    %dma_start3A_37 = tpu.memref_squeeze %dma_start3A_36 : memref<1x128xi32, #tpu.memory_space<vmem>> -> memref<128xi32, #tpu.memory_space<vmem>>
    %dma_start3A_38 = arith.constant 0 : i32
    %dma_start3A_39 = arith.constant 0 : i32
    %dma_start3A_40 = tpu.memref_slice %arg5[%dma_start3A_38, %dma_start3A_39] : memref<512x64xf32, #tpu.memory_space<hbm>> -> memref<512x64xf32, #tpu.memory_space<hbm>>
    tpu.enqueue_indirect_dma source(%dma_start3A_40 : memref<512x64xf32, #tpu.memory_space<hbm>>) target(%dma_start3A_34 : memref<128x64xf32, #tpu.memory_space<vmem>>) offsets(%dma_start3A_37 : memref<128xi32, #tpu.memory_space<vmem>>) semaphore(%arg23 : memref<!tpu.dma_semaphore, #tpu.memory_space<semaphore_mem>>)
    %dma_start3A_41 = arith.constant 1 : i32
    %dma_start3A_42 = arith.constant 128 : i32
    %dma_start3A_43 = arith.constant 0 : i32
    %dma_start3A_44 = tpu.memref_slice %arg14[%dma_start3A_42, %dma_start3A_43] : memref<256x64xf32, #tpu.memory_space<vmem>> -> memref<128x64xf32, #tpu.memory_space<vmem>>
    %dma_start3A_45 = arith.constant 0 : i32
    %dma_start3A_46 = tpu.memref_slice %arg10[%dma_start3A_41, %dma_start3A_45] : memref<2x128xi32, #tpu.memory_space<vmem>> -> memref<1x128xi32, #tpu.memory_space<vmem>>
    %dma_start3A_47 = tpu.memref_squeeze %dma_start3A_46 : memref<1x128xi32, #tpu.memory_space<vmem>> -> memref<128xi32, #tpu.memory_space<vmem>>
    %dma_start3A_48 = arith.constant 0 : i32
    %dma_start3A_49 = arith.constant 0 : i32
    %dma_start3A_50 = tpu.memref_slice %arg4[%dma_start3A_48, %dma_start3A_49] : memref<1000000x64xf32, #tpu.memory_space<hbm>> -> memref<1000000x64xf32, #tpu.memory_space<hbm>>
    tpu.enqueue_indirect_dma source(%dma_start3A_50 : memref<1000000x64xf32, #tpu.memory_space<hbm>>) target(%dma_start3A_44 : memref<128x64xf32, #tpu.memory_space<vmem>>) offsets(%dma_start3A_47 : memref<128xi32, #tpu.memory_space<vmem>>) semaphore(%arg23 : memref<!tpu.dma_semaphore, #tpu.memory_space<semaphore_mem>>)
    %dma_start3A_51 = arith.constant 1 : i32
    %dma_start3A_52 = arith.constant 128 : i32
    %dma_start3A_53 = arith.constant 0 : i32
    %dma_start3A_54 = tpu.memref_slice %arg16[%dma_start3A_52, %dma_start3A_53] : memref<256x64xf32, #tpu.memory_space<vmem>> -> memref<128x64xf32, #tpu.memory_space<vmem>>
    %dma_start3A_55 = arith.constant 0 : i32
    %dma_start3A_56 = tpu.memref_slice %arg12[%dma_start3A_51, %dma_start3A_55] : memref<2x128xi32, #tpu.memory_space<vmem>> -> memref<1x128xi32, #tpu.memory_space<vmem>>
    %dma_start3A_57 = tpu.memref_squeeze %dma_start3A_56 : memref<1x128xi32, #tpu.memory_space<vmem>> -> memref<128xi32, #tpu.memory_space<vmem>>
    %dma_start3A_58 = arith.constant 0 : i32
    %dma_start3A_59 = arith.constant 0 : i32
    %dma_start3A_60 = tpu.memref_slice %arg5[%dma_start3A_58, %dma_start3A_59] : memref<512x64xf32, #tpu.memory_space<hbm>> -> memref<512x64xf32, #tpu.memory_space<hbm>>
    tpu.enqueue_indirect_dma source(%dma_start3A_60 : memref<512x64xf32, #tpu.memory_space<hbm>>) target(%dma_start3A_54 : memref<128x64xf32, #tpu.memory_space<vmem>>) offsets(%dma_start3A_57 : memref<128xi32, #tpu.memory_space<vmem>>) semaphore(%arg23 : memref<!tpu.dma_semaphore, #tpu.memory_space<semaphore_mem>>)
    %scan3A = arith.constant 0 : i32
    %scan3A_61 = arith.constant 0 : i32
    %scan3A_62 = arith.constant 50 : i32
    %scan3A_63 = arith.addi %scan3A_61, %scan3A_62 : i32
    %scan3A_64 = arith.constant 1 : i32
    scf.for %scan3A_77 = %scan3A_61 to %scan3A_63 step %scan3A_64  : i32 {
      %mul3A_78 = arith.constant 2 : i32
      %mul3A_79 = arith.muli %mul3A_78, %scan3A_77 : i32
      %add3A_80 = arith.constant 1 : i32
      %add3A_81 = arith.addi %mul3A_79, %add3A_80 : i32
      %mul3A_82 = arith.constant 200 : i32
      %mul3A_83 = arith.muli %add3A, %mul3A_82 : i32
      %mul3A_84 = arith.constant 2 : i32
      %mul3A_85 = arith.muli %add3A_81, %mul3A_84 : i32
      %add3A_86 = arith.addi %mul3A_83, %mul3A_85 : i32
      "tpu.region"() ({
        %run_scoped3A = tpu.sem_alloc : memref<!tpu.dma_semaphore, #tpu.memory_space<semaphore_mem>>
        %dma_start3A_248 = arith.constant 0 : i32
        %dma_start3A_249 = tpu.memref_slice %arg2[%add3A_86, %dma_start3A_248] : memref<6400x128xi32, #tpu.memory_space<hbm>> -> memref<2x128xi32, #tpu.memory_space<hbm>>
        %dma_start3A_250 = arith.constant 0 : i32
        %dma_start3A_251 = tpu.memref_slice %arg2[%add3A_86, %dma_start3A_250] : memref<6400x128xi32, #tpu.memory_space<hbm>> -> memref<2x128xi32, #tpu.memory_space<hbm>>
        tpu.enqueue_dma source(%dma_start3A_251 : memref<2x128xi32, #tpu.memory_space<hbm>>) target(%arg11 : memref<2x128xi32, #tpu.memory_space<vmem>>) target_semaphore(%run_scoped3A : memref<!tpu.dma_semaphore, #tpu.memory_space<semaphore_mem>>)
        %dma_wait3A_252 = arith.constant 0 : i32
        %dma_wait3A_253 = tpu.memref_slice %arg2[%add3A_86, %dma_wait3A_252] : memref<6400x128xi32, #tpu.memory_space<hbm>> -> memref<2x128xi32, #tpu.memory_space<hbm>>
        %dma_wait3A_254 = arith.constant 0 : i32
        %dma_wait3A_255 = tpu.memref_slice %arg2[%add3A_86, %dma_wait3A_254] : memref<6400x128xi32, #tpu.memory_space<hbm>> -> memref<2x128xi32, #tpu.memory_space<hbm>>
        tpu.wait_dma2 semaphore(%run_scoped3A : memref<!tpu.dma_semaphore, #tpu.memory_space<semaphore_mem>>) src(%dma_wait3A_255 : memref<2x128xi32, #tpu.memory_space<hbm>>) dst(%arg11 : memref<2x128xi32, #tpu.memory_space<vmem>>)
        tpu.yield
      }) : () -> ()
      "tpu.region"() ({
        %run_scoped3A = tpu.sem_alloc : memref<!tpu.dma_semaphore, #tpu.memory_space<semaphore_mem>>
        %dma_start3A_248 = arith.constant 0 : i32
        %dma_start3A_249 = tpu.memref_slice %arg3[%add3A_86, %dma_start3A_248] : memref<6400x128xi32, #tpu.memory_space<hbm>> -> memref<2x128xi32, #tpu.memory_space<hbm>>
        %dma_start3A_250 = arith.constant 0 : i32
        %dma_start3A_251 = tpu.memref_slice %arg3[%add3A_86, %dma_start3A_250] : memref<6400x128xi32, #tpu.memory_space<hbm>> -> memref<2x128xi32, #tpu.memory_space<hbm>>
        tpu.enqueue_dma source(%dma_start3A_251 : memref<2x128xi32, #tpu.memory_space<hbm>>) target(%arg13 : memref<2x128xi32, #tpu.memory_space<vmem>>) target_semaphore(%run_scoped3A : memref<!tpu.dma_semaphore, #tpu.memory_space<semaphore_mem>>)
        %dma_wait3A_252 = arith.constant 0 : i32
        %dma_wait3A_253 = tpu.memref_slice %arg3[%add3A_86, %dma_wait3A_252] : memref<6400x128xi32, #tpu.memory_space<hbm>> -> memref<2x128xi32, #tpu.memory_space<hbm>>
        %dma_wait3A_254 = arith.constant 0 : i32
        %dma_wait3A_255 = tpu.memref_slice %arg3[%add3A_86, %dma_wait3A_254] : memref<6400x128xi32, #tpu.memory_space<hbm>> -> memref<2x128xi32, #tpu.memory_space<hbm>>
        tpu.wait_dma2 semaphore(%run_scoped3A : memref<!tpu.dma_semaphore, #tpu.memory_space<semaphore_mem>>) src(%dma_wait3A_255 : memref<2x128xi32, #tpu.memory_space<hbm>>) dst(%arg13 : memref<2x128xi32, #tpu.memory_space<vmem>>)
        tpu.yield
      }) : () -> ()
      %dma_start3A_87 = arith.constant 0 : i32
      %dma_start3A_88 = arith.constant 0 : i32
      %dma_start3A_89 = arith.constant 0 : i32
      %dma_start3A_90 = tpu.memref_slice %arg15[%dma_start3A_88, %dma_start3A_89] : memref<256x64xf32, #tpu.memory_space<vmem>> -> memref<128x64xf32, #tpu.memory_space<vmem>>
      %dma_start3A_91 = arith.constant 0 : i32
      %dma_start3A_92 = tpu.memref_slice %arg11[%dma_start3A_87, %dma_start3A_91] : memref<2x128xi32, #tpu.memory_space<vmem>> -> memref<1x128xi32, #tpu.memory_space<vmem>>
      %dma_start3A_93 = tpu.memref_squeeze %dma_start3A_92 : memref<1x128xi32, #tpu.memory_space<vmem>> -> memref<128xi32, #tpu.memory_space<vmem>>
      %dma_start3A_94 = arith.constant 0 : i32
      %dma_start3A_95 = arith.constant 0 : i32
      %dma_start3A_96 = tpu.memref_slice %arg4[%dma_start3A_94, %dma_start3A_95] : memref<1000000x64xf32, #tpu.memory_space<hbm>> -> memref<1000000x64xf32, #tpu.memory_space<hbm>>
      tpu.enqueue_indirect_dma source(%dma_start3A_96 : memref<1000000x64xf32, #tpu.memory_space<hbm>>) target(%dma_start3A_90 : memref<128x64xf32, #tpu.memory_space<vmem>>) offsets(%dma_start3A_93 : memref<128xi32, #tpu.memory_space<vmem>>) semaphore(%arg24 : memref<!tpu.dma_semaphore, #tpu.memory_space<semaphore_mem>>)
      %dma_start3A_97 = arith.constant 0 : i32
      %dma_start3A_98 = arith.constant 0 : i32
      %dma_start3A_99 = arith.constant 0 : i32
      %dma_start3A_100 = tpu.memref_slice %arg17[%dma_start3A_98, %dma_start3A_99] : memref<256x64xf32, #tpu.memory_space<vmem>> -> memref<128x64xf32, #tpu.memory_space<vmem>>
      %dma_start3A_101 = arith.constant 0 : i32
      %dma_start3A_102 = tpu.memref_slice %arg13[%dma_start3A_97, %dma_start3A_101] : memref<2x128xi32, #tpu.memory_space<vmem>> -> memref<1x128xi32, #tpu.memory_space<vmem>>
      %dma_start3A_103 = tpu.memref_squeeze %dma_start3A_102 : memref<1x128xi32, #tpu.memory_space<vmem>> -> memref<128xi32, #tpu.memory_space<vmem>>
      %dma_start3A_104 = arith.constant 0 : i32
      %dma_start3A_105 = arith.constant 0 : i32
      %dma_start3A_106 = tpu.memref_slice %arg5[%dma_start3A_104, %dma_start3A_105] : memref<512x64xf32, #tpu.memory_space<hbm>> -> memref<512x64xf32, #tpu.memory_space<hbm>>
      tpu.enqueue_indirect_dma source(%dma_start3A_106 : memref<512x64xf32, #tpu.memory_space<hbm>>) target(%dma_start3A_100 : memref<128x64xf32, #tpu.memory_space<vmem>>) offsets(%dma_start3A_103 : memref<128xi32, #tpu.memory_space<vmem>>) semaphore(%arg24 : memref<!tpu.dma_semaphore, #tpu.memory_space<semaphore_mem>>)
      %dma_start3A_107 = arith.constant 1 : i32
      %dma_start3A_108 = arith.constant 128 : i32
      %dma_start3A_109 = arith.constant 0 : i32
      %dma_start3A_110 = tpu.memref_slice %arg15[%dma_start3A_108, %dma_start3A_109] : memref<256x64xf32, #tpu.memory_space<vmem>> -> memref<128x64xf32, #tpu.memory_space<vmem>>
      %dma_start3A_111 = arith.constant 0 : i32
      %dma_start3A_112 = tpu.memref_slice %arg11[%dma_start3A_107, %dma_start3A_111] : memref<2x128xi32, #tpu.memory_space<vmem>> -> memref<1x128xi32, #tpu.memory_space<vmem>>
      %dma_start3A_113 = tpu.memref_squeeze %dma_start3A_112 : memref<1x128xi32, #tpu.memory_space<vmem>> -> memref<128xi32, #tpu.memory_space<vmem>>
      %dma_start3A_114 = arith.constant 0 : i32
      %dma_start3A_115 = arith.constant 0 : i32
      %dma_start3A_116 = tpu.memref_slice %arg4[%dma_start3A_114, %dma_start3A_115] : memref<1000000x64xf32, #tpu.memory_space<hbm>> -> memref<1000000x64xf32, #tpu.memory_space<hbm>>
      tpu.enqueue_indirect_dma source(%dma_start3A_116 : memref<1000000x64xf32, #tpu.memory_space<hbm>>) target(%dma_start3A_110 : memref<128x64xf32, #tpu.memory_space<vmem>>) offsets(%dma_start3A_113 : memref<128xi32, #tpu.memory_space<vmem>>) semaphore(%arg24 : memref<!tpu.dma_semaphore, #tpu.memory_space<semaphore_mem>>)
      %dma_start3A_117 = arith.constant 1 : i32
      %dma_start3A_118 = arith.constant 128 : i32
      %dma_start3A_119 = arith.constant 0 : i32
      %dma_start3A_120 = tpu.memref_slice %arg17[%dma_start3A_118, %dma_start3A_119] : memref<256x64xf32, #tpu.memory_space<vmem>> -> memref<128x64xf32, #tpu.memory_space<vmem>>
      %dma_start3A_121 = arith.constant 0 : i32
      %dma_start3A_122 = tpu.memref_slice %arg13[%dma_start3A_117, %dma_start3A_121] : memref<2x128xi32, #tpu.memory_space<vmem>> -> memref<1x128xi32, #tpu.memory_space<vmem>>
      %dma_start3A_123 = tpu.memref_squeeze %dma_start3A_122 : memref<1x128xi32, #tpu.memory_space<vmem>> -> memref<128xi32, #tpu.memory_space<vmem>>
      %dma_start3A_124 = arith.constant 0 : i32
      %dma_start3A_125 = arith.constant 0 : i32
      %dma_start3A_126 = tpu.memref_slice %arg5[%dma_start3A_124, %dma_start3A_125] : memref<512x64xf32, #tpu.memory_space<hbm>> -> memref<512x64xf32, #tpu.memory_space<hbm>>
      tpu.enqueue_indirect_dma source(%dma_start3A_126 : memref<512x64xf32, #tpu.memory_space<hbm>>) target(%dma_start3A_120 : memref<128x64xf32, #tpu.memory_space<vmem>>) offsets(%dma_start3A_123 : memref<128xi32, #tpu.memory_space<vmem>>) semaphore(%arg24 : memref<!tpu.dma_semaphore, #tpu.memory_space<semaphore_mem>>)
      %dma_wait3A_127 = arith.constant 0 : i32
      %dma_wait3A_128 = arith.constant 0 : i32
      %dma_wait3A_129 = arith.constant 0 : i32
      %dma_wait3A_130 = tpu.memref_slice %arg14[%dma_wait3A_128, %dma_wait3A_129] : memref<256x64xf32, #tpu.memory_space<vmem>> -> memref<128x64xf32, #tpu.memory_space<vmem>>
      %dma_wait3A_131 = arith.constant 0 : i32
      %dma_wait3A_132 = tpu.memref_slice %arg10[%dma_wait3A_127, %dma_wait3A_131] : memref<2x128xi32, #tpu.memory_space<vmem>> -> memref<1x128xi32, #tpu.memory_space<vmem>>
      %dma_wait3A_133 = tpu.memref_squeeze %dma_wait3A_132 : memref<1x128xi32, #tpu.memory_space<vmem>> -> memref<128xi32, #tpu.memory_space<vmem>>
      %dma_wait3A_134 = arith.constant 0 : i32
      %dma_wait3A_135 = arith.constant 0 : i32
      %dma_wait3A_136 = tpu.memref_slice %arg4[%dma_wait3A_134, %dma_wait3A_135] : memref<1000000x64xf32, #tpu.memory_space<hbm>> -> memref<1000000x64xf32, #tpu.memory_space<hbm>>
      tpu.wait_indirect_dma semaphore(%arg23 : memref<!tpu.dma_semaphore, #tpu.memory_space<semaphore_mem>>) src(%dma_wait3A_136 : memref<1000000x64xf32, #tpu.memory_space<hbm>>) dst(%dma_wait3A_130 : memref<128x64xf32, #tpu.memory_space<vmem>>)
      %dma_wait3A_137 = arith.constant 0 : i32
      %dma_wait3A_138 = arith.constant 0 : i32
      %dma_wait3A_139 = arith.constant 0 : i32
      %dma_wait3A_140 = tpu.memref_slice %arg16[%dma_wait3A_138, %dma_wait3A_139] : memref<256x64xf32, #tpu.memory_space<vmem>> -> memref<128x64xf32, #tpu.memory_space<vmem>>
      %dma_wait3A_141 = arith.constant 0 : i32
      %dma_wait3A_142 = tpu.memref_slice %arg12[%dma_wait3A_137, %dma_wait3A_141] : memref<2x128xi32, #tpu.memory_space<vmem>> -> memref<1x128xi32, #tpu.memory_space<vmem>>
      %dma_wait3A_143 = tpu.memref_squeeze %dma_wait3A_142 : memref<1x128xi32, #tpu.memory_space<vmem>> -> memref<128xi32, #tpu.memory_space<vmem>>
      %dma_wait3A_144 = arith.constant 0 : i32
      %dma_wait3A_145 = arith.constant 0 : i32
      %dma_wait3A_146 = tpu.memref_slice %arg5[%dma_wait3A_144, %dma_wait3A_145] : memref<512x64xf32, #tpu.memory_space<hbm>> -> memref<512x64xf32, #tpu.memory_space<hbm>>
      tpu.wait_indirect_dma semaphore(%arg23 : memref<!tpu.dma_semaphore, #tpu.memory_space<semaphore_mem>>) src(%dma_wait3A_146 : memref<512x64xf32, #tpu.memory_space<hbm>>) dst(%dma_wait3A_140 : memref<128x64xf32, #tpu.memory_space<vmem>>)
      %dma_wait3A_147 = arith.constant 1 : i32
      %dma_wait3A_148 = arith.constant 128 : i32
      %dma_wait3A_149 = arith.constant 0 : i32
      %dma_wait3A_150 = tpu.memref_slice %arg14[%dma_wait3A_148, %dma_wait3A_149] : memref<256x64xf32, #tpu.memory_space<vmem>> -> memref<128x64xf32, #tpu.memory_space<vmem>>
      %dma_wait3A_151 = arith.constant 0 : i32
      %dma_wait3A_152 = tpu.memref_slice %arg10[%dma_wait3A_147, %dma_wait3A_151] : memref<2x128xi32, #tpu.memory_space<vmem>> -> memref<1x128xi32, #tpu.memory_space<vmem>>
      %dma_wait3A_153 = tpu.memref_squeeze %dma_wait3A_152 : memref<1x128xi32, #tpu.memory_space<vmem>> -> memref<128xi32, #tpu.memory_space<vmem>>
      %dma_wait3A_154 = arith.constant 0 : i32
      %dma_wait3A_155 = arith.constant 0 : i32
      %dma_wait3A_156 = tpu.memref_slice %arg4[%dma_wait3A_154, %dma_wait3A_155] : memref<1000000x64xf32, #tpu.memory_space<hbm>> -> memref<1000000x64xf32, #tpu.memory_space<hbm>>
      tpu.wait_indirect_dma semaphore(%arg23 : memref<!tpu.dma_semaphore, #tpu.memory_space<semaphore_mem>>) src(%dma_wait3A_156 : memref<1000000x64xf32, #tpu.memory_space<hbm>>) dst(%dma_wait3A_150 : memref<128x64xf32, #tpu.memory_space<vmem>>)
      %dma_wait3A_157 = arith.constant 1 : i32
      %dma_wait3A_158 = arith.constant 128 : i32
      %dma_wait3A_159 = arith.constant 0 : i32
      %dma_wait3A_160 = tpu.memref_slice %arg16[%dma_wait3A_158, %dma_wait3A_159] : memref<256x64xf32, #tpu.memory_space<vmem>> -> memref<128x64xf32, #tpu.memory_space<vmem>>
      %dma_wait3A_161 = arith.constant 0 : i32
      %dma_wait3A_162 = tpu.memref_slice %arg12[%dma_wait3A_157, %dma_wait3A_161] : memref<2x128xi32, #tpu.memory_space<vmem>> -> memref<1x128xi32, #tpu.memory_space<vmem>>
      %dma_wait3A_163 = tpu.memref_squeeze %dma_wait3A_162 : memref<1x128xi32, #tpu.memory_space<vmem>> -> memref<128xi32, #tpu.memory_space<vmem>>
      %dma_wait3A_164 = arith.constant 0 : i32
      %dma_wait3A_165 = arith.constant 0 : i32
      %dma_wait3A_166 = tpu.memref_slice %arg5[%dma_wait3A_164, %dma_wait3A_165] : memref<512x64xf32, #tpu.memory_space<hbm>> -> memref<512x64xf32, #tpu.memory_space<hbm>>
      tpu.wait_indirect_dma semaphore(%arg23 : memref<!tpu.dma_semaphore, #tpu.memory_space<semaphore_mem>>) src(%dma_wait3A_166 : memref<512x64xf32, #tpu.memory_space<hbm>>) dst(%dma_wait3A_160 : memref<128x64xf32, #tpu.memory_space<vmem>>)
      %ge3A = arith.constant 1 : i32
      %ge3A_167 = arith.cmpi sge, %scan3A_77, %ge3A : i32
      %convert_element_type3A = arith.extui %ge3A_167 : i1 to i32
      %cond3A = arith.constant 0 : i32
      %cond3A_168 = arith.cmpi ne, %convert_element_type3A, %cond3A : i32
      scf.if %cond3A_168 {
        %add3A_248 = arith.constant 0 : i32
        %add3A_249 = arith.addi %mul3A_2, %add3A_248 : i32
        %dma_wait3A_250 = arith.constant 0 : i32
        %dma_wait3A_251 = tpu.memref_slice %arg9[%add3A_249, %dma_wait3A_250] : memref<819200x64xf32, #tpu.memory_space<hbm>> -> memref<256x64xf32, #tpu.memory_space<hbm>>
        %dma_wait3A_252 = arith.constant 0 : i32
        %dma_wait3A_253 = tpu.memref_slice %arg9[%add3A_249, %dma_wait3A_252] : memref<819200x64xf32, #tpu.memory_space<hbm>> -> memref<256x64xf32, #tpu.memory_space<hbm>>
        tpu.wait_dma2 semaphore(%arg25 : memref<!tpu.dma_semaphore, #tpu.memory_space<semaphore_mem>>) src(%arg18 : memref<256x64xf32, #tpu.memory_space<vmem>>) dst(%dma_wait3A_253 : memref<256x64xf32, #tpu.memory_space<hbm>>)
      } else {
      }
      %mul3A_169 = arith.constant 256 : i32
      %mul3A_170 = arith.muli %mul3A_79, %mul3A_169 : i32
      %rem3A = arith.constant 200 : i32
      %rem3A_171 = arith.remsi %mul3A_170, %rem3A : i32
      %parallel_loop3A = arith.constant 0 : i32
      %parallel_loop3A_172 = arith.constant 256 : i32
      %parallel_loop3A_173 = arith.constant 1 : i32
      scf.for %parallel_loop3A_248 = %parallel_loop3A to %parallel_loop3A_172 step %parallel_loop3A_173  : i32 {
        %parallel_loop3A_249 = arith.addi %parallel_loop3A_248, %rem3A_171 : i32
        %parallel_loop3A_250 = arith.constant 200 : i32
        %parallel_loop3A_251 = arith.remsi %parallel_loop3A_249, %parallel_loop3A_250 : i32
        %parallel_loop3A_252 = arith.index_cast %parallel_loop3A_248 : i32 to index
        %parallel_loop3A_253 = arith.constant 0 : index
        %parallel_loop3A_254 = tpu.vector_load %arg14[%parallel_loop3A_252, %parallel_loop3A_253] {strides = array<i32>} : memref<256x64xf32, #tpu.memory_space<vmem>>, vector<16xf32>,
        %parallel_loop3A_255 = arith.index_cast %parallel_loop3A_248 : i32 to index
        %parallel_loop3A_256 = arith.constant 0 : index
        %parallel_loop3A_257 = tpu.vector_load %arg16[%parallel_loop3A_255, %parallel_loop3A_256] {strides = array<i32>} : memref<256x64xf32, #tpu.memory_space<vmem>>, vector<16xf32>,
        %parallel_loop3A_258 = arith.addf %parallel_loop3A_254, %parallel_loop3A_257 : vector<16xf32>
        %parallel_loop3A_259 = arith.index_cast %parallel_loop3A_251 : i32 to index
        %parallel_loop3A_260 = arith.constant 0 : index
        %parallel_loop3A_261 = tpu.vector_load %arg20[%parallel_loop3A_259, %parallel_loop3A_260] {strides = array<i32>} : memref<200x64xf32, #tpu.memory_space<vmem>>, vector<16xf32>,
        %parallel_loop3A_262 = arith.addf %parallel_loop3A_258, %parallel_loop3A_261 : vector<16xf32>
        %parallel_loop3A_263 = arith.index_cast %parallel_loop3A_248 : i32 to index
        %parallel_loop3A_264 = arith.constant 16 : index
        %parallel_loop3A_265 = tpu.vector_load %arg14[%parallel_loop3A_263, %parallel_loop3A_264] {strides = array<i32>} : memref<256x64xf32, #tpu.memory_space<vmem>>, vector<16xf32>,
        %parallel_loop3A_266 = arith.index_cast %parallel_loop3A_248 : i32 to index
        %parallel_loop3A_267 = arith.constant 16 : index
        %parallel_loop3A_268 = tpu.vector_load %arg16[%parallel_loop3A_266, %parallel_loop3A_267] {strides = array<i32>} : memref<256x64xf32, #tpu.memory_space<vmem>>, vector<16xf32>,
        %parallel_loop3A_269 = arith.addf %parallel_loop3A_265, %parallel_loop3A_268 : vector<16xf32>
        %parallel_loop3A_270 = arith.index_cast %parallel_loop3A_251 : i32 to index
        %parallel_loop3A_271 = arith.constant 16 : index
        %parallel_loop3A_272 = tpu.vector_load %arg20[%parallel_loop3A_270, %parallel_loop3A_271] {strides = array<i32>} : memref<200x64xf32, #tpu.memory_space<vmem>>, vector<16xf32>,
        %parallel_loop3A_273 = arith.addf %parallel_loop3A_269, %parallel_loop3A_272 : vector<16xf32>
        %parallel_loop3A_274 = arith.index_cast %parallel_loop3A_248 : i32 to index
        %parallel_loop3A_275 = arith.constant 32 : index
        %parallel_loop3A_276 = tpu.vector_load %arg14[%parallel_loop3A_274, %parallel_loop3A_275] {strides = array<i32>} : memref<256x64xf32, #tpu.memory_space<vmem>>, vector<16xf32>,
        %parallel_loop3A_277 = arith.index_cast %parallel_loop3A_248 : i32 to index
        %parallel_loop3A_278 = arith.constant 32 : index
        %parallel_loop3A_279 = tpu.vector_load %arg16[%parallel_loop3A_277, %parallel_loop3A_278] {strides = array<i32>} : memref<256x64xf32, #tpu.memory_space<vmem>>, vector<16xf32>,
        %parallel_loop3A_280 = arith.addf %parallel_loop3A_276, %parallel_loop3A_279 : vector<16xf32>
        %parallel_loop3A_281 = arith.index_cast %parallel_loop3A_251 : i32 to index
        %parallel_loop3A_282 = arith.constant 32 : index
        %parallel_loop3A_283 = tpu.vector_load %arg20[%parallel_loop3A_281, %parallel_loop3A_282] {strides = array<i32>} : memref<200x64xf32, #tpu.memory_space<vmem>>, vector<16xf32>,
        %parallel_loop3A_284 = arith.addf %parallel_loop3A_280, %parallel_loop3A_283 : vector<16xf32>
        %parallel_loop3A_285 = arith.index_cast %parallel_loop3A_248 : i32 to index
        %parallel_loop3A_286 = arith.constant 48 : index
        %parallel_loop3A_287 = tpu.vector_load %arg14[%parallel_loop3A_285, %parallel_loop3A_286] {strides = array<i32>} : memref<256x64xf32, #tpu.memory_space<vmem>>, vector<16xf32>,
        %parallel_loop3A_288 = arith.index_cast %parallel_loop3A_248 : i32 to index
        %parallel_loop3A_289 = arith.constant 48 : index
        %parallel_loop3A_290 = tpu.vector_load %arg16[%parallel_loop3A_288, %parallel_loop3A_289] {strides = array<i32>} : memref<256x64xf32, #tpu.memory_space<vmem>>, vector<16xf32>,
        %parallel_loop3A_291 = arith.addf %parallel_loop3A_287, %parallel_loop3A_290 : vector<16xf32>
        %parallel_loop3A_292 = arith.index_cast %parallel_loop3A_251 : i32 to index
        %parallel_loop3A_293 = arith.constant 48 : index
        %parallel_loop3A_294 = tpu.vector_load %arg20[%parallel_loop3A_292, %parallel_loop3A_293] {strides = array<i32>} : memref<200x64xf32, #tpu.memory_space<vmem>>, vector<16xf32>,
        %parallel_loop3A_295 = arith.addf %parallel_loop3A_291, %parallel_loop3A_294 : vector<16xf32>
        %parallel_loop3A_296 = arith.addf %parallel_loop3A_262, %parallel_loop3A_273 : vector<16xf32>
        %parallel_loop3A_297 = arith.addf %parallel_loop3A_284, %parallel_loop3A_295 : vector<16xf32>
        %parallel_loop3A_298 = arith.addf %parallel_loop3A_296, %parallel_loop3A_297 : vector<16xf32>
        %parallel_loop3A_299 = arith.mulf %parallel_loop3A_262, %parallel_loop3A_262 : vector<16xf32>
        %parallel_loop3A_300 = arith.mulf %parallel_loop3A_273, %parallel_loop3A_273 : vector<16xf32>
        %parallel_loop3A_301 = arith.addf %parallel_loop3A_299, %parallel_loop3A_300 : vector<16xf32>
        %parallel_loop3A_302 = arith.mulf %parallel_loop3A_284, %parallel_loop3A_284 : vector<16xf32>
        %parallel_loop3A_303 = arith.mulf %parallel_loop3A_295, %parallel_loop3A_295 : vector<16xf32>
        %parallel_loop3A_304 = arith.addf %parallel_loop3A_302, %parallel_loop3A_303 : vector<16xf32>
        %parallel_loop3A_305 = arith.addf %parallel_loop3A_301, %parallel_loop3A_304 : vector<16xf32>
        %parallel_loop3A_306 = arith.constant true
        %parallel_loop3A_307 = vector.broadcast %parallel_loop3A_306 : i1 to vector<16xi1>
        %parallel_loop3A_308 = tpu.scan <sum>, %parallel_loop3A_298 masked %parallel_loop3A_307 : vector<16xf32>, vector<16xi1> -> vector<16xf32>
        %parallel_loop3A_309 = vector.extract %parallel_loop3A_308[15] : f32 from vector<16xf32>
        %parallel_loop3A_310 = arith.constant 1.562500e-02 : f32
        %parallel_loop3A_311 = arith.mulf %parallel_loop3A_309, %parallel_loop3A_310 : f32
        %parallel_loop3A_312 = arith.constant true
        %parallel_loop3A_313 = vector.broadcast %parallel_loop3A_312 : i1 to vector<16xi1>
        %parallel_loop3A_314 = tpu.scan <sum>, %parallel_loop3A_305 masked %parallel_loop3A_313 : vector<16xf32>, vector<16xi1> -> vector<16xf32>
        %parallel_loop3A_315 = vector.extract %parallel_loop3A_314[15] : f32 from vector<16xf32>
        %parallel_loop3A_316 = arith.constant 1.562500e-02 : f32
        %parallel_loop3A_317 = arith.mulf %parallel_loop3A_315, %parallel_loop3A_316 : f32
        %parallel_loop3A_318 = arith.mulf %parallel_loop3A_311, %parallel_loop3A_311 : f32
        %parallel_loop3A_319 = arith.subf %parallel_loop3A_317, %parallel_loop3A_318 : f32
        %parallel_loop3A_320 = vector.broadcast %parallel_loop3A_311 : f32 to vector<16xf32>
        %parallel_loop3A_321 = arith.constant 9.99999996E-13 : f32
        %parallel_loop3A_322 = arith.addf %parallel_loop3A_319, %parallel_loop3A_321 : f32
        %parallel_loop3A_323 = vector.broadcast %parallel_loop3A_322 : f32 to vector<16xf32>
        %parallel_loop3A_324 = vector.bitcast %parallel_loop3A_323 : vector<16xf32> to vector<16xi32>
        %parallel_loop3A_325 = arith.constant 1 : i32
        %parallel_loop3A_326 = vector.broadcast %parallel_loop3A_325 : i32 to vector<16xi32>
        %parallel_loop3A_327 = arith.shrsi %parallel_loop3A_324, %parallel_loop3A_326 : vector<16xi32>
        %parallel_loop3A_328 = arith.constant 1597463007 : i32
        %parallel_loop3A_329 = vector.broadcast %parallel_loop3A_328 : i32 to vector<16xi32>
        %parallel_loop3A_330 = arith.subi %parallel_loop3A_329, %parallel_loop3A_327 : vector<16xi32>
        %parallel_loop3A_331 = vector.bitcast %parallel_loop3A_330 : vector<16xi32> to vector<16xf32>
        %parallel_loop3A_332 = arith.constant 5.000000e-01 : f32
        %parallel_loop3A_333 = vector.broadcast %parallel_loop3A_332 : f32 to vector<16xf32>
        %parallel_loop3A_334 = arith.mulf %parallel_loop3A_333, %parallel_loop3A_323 : vector<16xf32>
        %parallel_loop3A_335 = arith.mulf %parallel_loop3A_334, %parallel_loop3A_331 : vector<16xf32>
        %parallel_loop3A_336 = arith.mulf %parallel_loop3A_335, %parallel_loop3A_331 : vector<16xf32>
        %parallel_loop3A_337 = arith.constant 1.500000e+00 : f32
        %parallel_loop3A_338 = vector.broadcast %parallel_loop3A_337 : f32 to vector<16xf32>
        %parallel_loop3A_339 = arith.subf %parallel_loop3A_338, %parallel_loop3A_336 : vector<16xf32>
        %parallel_loop3A_340 = arith.mulf %parallel_loop3A_331, %parallel_loop3A_339 : vector<16xf32>
        %parallel_loop3A_341 = arith.constant 5.000000e-01 : f32
        %parallel_loop3A_342 = vector.broadcast %parallel_loop3A_341 : f32 to vector<16xf32>
        %parallel_loop3A_343 = arith.mulf %parallel_loop3A_342, %parallel_loop3A_323 : vector<16xf32>
        %parallel_loop3A_344 = arith.mulf %parallel_loop3A_343, %parallel_loop3A_340 : vector<16xf32>
        %parallel_loop3A_345 = arith.mulf %parallel_loop3A_344, %parallel_loop3A_340 : vector<16xf32>
        %parallel_loop3A_346 = arith.constant 1.500000e+00 : f32
        %parallel_loop3A_347 = vector.broadcast %parallel_loop3A_346 : f32 to vector<16xf32>
        %parallel_loop3A_348 = arith.subf %parallel_loop3A_347, %parallel_loop3A_345 : vector<16xf32>
        %parallel_loop3A_349 = arith.mulf %parallel_loop3A_340, %parallel_loop3A_348 : vector<16xf32>
        %parallel_loop3A_350 = arith.constant 5.000000e-01 : f32
        %parallel_loop3A_351 = vector.broadcast %parallel_loop3A_350 : f32 to vector<16xf32>
        %parallel_loop3A_352 = arith.mulf %parallel_loop3A_351, %parallel_loop3A_323 : vector<16xf32>
        %parallel_loop3A_353 = arith.mulf %parallel_loop3A_352, %parallel_loop3A_349 : vector<16xf32>
        %parallel_loop3A_354 = arith.mulf %parallel_loop3A_353, %parallel_loop3A_349 : vector<16xf32>
        %parallel_loop3A_355 = arith.constant 1.500000e+00 : f32
        %parallel_loop3A_356 = vector.broadcast %parallel_loop3A_355 : f32 to vector<16xf32>
        %parallel_loop3A_357 = arith.subf %parallel_loop3A_356, %parallel_loop3A_354 : vector<16xf32>
        %parallel_loop3A_358 = arith.mulf %parallel_loop3A_349, %parallel_loop3A_357 : vector<16xf32>
        %parallel_loop3A_359 = arith.subf %parallel_loop3A_262, %parallel_loop3A_320 : vector<16xf32>
        %parallel_loop3A_360 = arith.mulf %parallel_loop3A_359, %parallel_loop3A_358 : vector<16xf32>
        %parallel_loop3A_361 = arith.mulf %parallel_loop3A_360, %get3A_3 : vector<16xf32>
        %parallel_loop3A_362 = arith.addf %parallel_loop3A_361, %get3A_11 : vector<16xf32>
        %parallel_loop3A_363 = arith.index_cast %parallel_loop3A_248 : i32 to index
        %parallel_loop3A_364 = arith.constant 0 : index
        %parallel_loop3A_365 = tpu.vector_load %arg18[%parallel_loop3A_363, %parallel_loop3A_364] {strides = array<i32>} : memref<256x64xf32, #tpu.memory_space<vmem>>, vector<16xf32>,
        tpu.vector_store %arg18[%parallel_loop3A_363, %parallel_loop3A_364], %parallel_loop3A_362 {strides = array<i32>} : memref<256x64xf32, #tpu.memory_space<vmem>>, vector<16xf32>,
        %parallel_loop3A_366 = arith.subf %parallel_loop3A_273, %parallel_loop3A_320 : vector<16xf32>
        %parallel_loop3A_367 = arith.mulf %parallel_loop3A_366, %parallel_loop3A_358 : vector<16xf32>
        %parallel_loop3A_368 = arith.mulf %parallel_loop3A_367, %get3A_5 : vector<16xf32>
        %parallel_loop3A_369 = arith.addf %parallel_loop3A_368, %get3A_13 : vector<16xf32>
        %parallel_loop3A_370 = arith.index_cast %parallel_loop3A_248 : i32 to index
        %parallel_loop3A_371 = arith.constant 16 : index
        %parallel_loop3A_372 = tpu.vector_load %arg18[%parallel_loop3A_370, %parallel_loop3A_371] {strides = array<i32>} : memref<256x64xf32, #tpu.memory_space<vmem>>, vector<16xf32>,
        tpu.vector_store %arg18[%parallel_loop3A_370, %parallel_loop3A_371], %parallel_loop3A_369 {strides = array<i32>} : memref<256x64xf32, #tpu.memory_space<vmem>>, vector<16xf32>,
        %parallel_loop3A_373 = arith.subf %parallel_loop3A_284, %parallel_loop3A_320 : vector<16xf32>
        %parallel_loop3A_374 = arith.mulf %parallel_loop3A_373, %parallel_loop3A_358 : vector<16xf32>
        %parallel_loop3A_375 = arith.mulf %parallel_loop3A_374, %get3A_7 : vector<16xf32>
        %parallel_loop3A_376 = arith.addf %parallel_loop3A_375, %get3A_15 : vector<16xf32>
        %parallel_loop3A_377 = arith.index_cast %parallel_loop3A_248 : i32 to index
        %parallel_loop3A_378 = arith.constant 32 : index
        %parallel_loop3A_379 = tpu.vector_load %arg18[%parallel_loop3A_377, %parallel_loop3A_378] {strides = array<i32>} : memref<256x64xf32, #tpu.memory_space<vmem>>, vector<16xf32>,
        tpu.vector_store %arg18[%parallel_loop3A_377, %parallel_loop3A_378], %parallel_loop3A_376 {strides = array<i32>} : memref<256x64xf32, #tpu.memory_space<vmem>>, vector<16xf32>,
        %parallel_loop3A_380 = arith.subf %parallel_loop3A_295, %parallel_loop3A_320 : vector<16xf32>
        %parallel_loop3A_381 = arith.mulf %parallel_loop3A_380, %parallel_loop3A_358 : vector<16xf32>
        %parallel_loop3A_382 = arith.mulf %parallel_loop3A_381, %get3A_9 : vector<16xf32>
        %parallel_loop3A_383 = arith.addf %parallel_loop3A_382, %get3A_17 : vector<16xf32>
        %parallel_loop3A_384 = arith.index_cast %parallel_loop3A_248 : i32 to index
        %parallel_loop3A_385 = arith.constant 48 : index
        %parallel_loop3A_386 = tpu.vector_load %arg18[%parallel_loop3A_384, %parallel_loop3A_385] {strides = array<i32>} : memref<256x64xf32, #tpu.memory_space<vmem>>, vector<16xf32>,
        tpu.vector_store %arg18[%parallel_loop3A_384, %parallel_loop3A_385], %parallel_loop3A_383 {strides = array<i32>} : memref<256x64xf32, #tpu.memory_space<vmem>>, vector<16xf32>,
      } {sc.loop_unroll_factor = 4 : i64, sc.parallel_access}
      %mul3A_174 = arith.constant 256 : i32
      %mul3A_175 = arith.muli %mul3A_79, %mul3A_174 : i32
      %add3A_176 = arith.addi %mul3A_2, %mul3A_175 : i32
      %dma_start3A_177 = arith.constant 0 : i32
      %dma_start3A_178 = tpu.memref_slice %arg9[%add3A_176, %dma_start3A_177] : memref<819200x64xf32, #tpu.memory_space<hbm>> -> memref<256x64xf32, #tpu.memory_space<hbm>>
      %dma_start3A_179 = arith.constant 0 : i32
      %dma_start3A_180 = tpu.memref_slice %arg9[%add3A_176, %dma_start3A_179] : memref<819200x64xf32, #tpu.memory_space<hbm>> -> memref<256x64xf32, #tpu.memory_space<hbm>>
      tpu.enqueue_dma source(%arg18 : memref<256x64xf32, #tpu.memory_space<vmem>>) target(%dma_start3A_180 : memref<256x64xf32, #tpu.memory_space<hbm>>) target_semaphore(%arg25 : memref<!tpu.dma_semaphore, #tpu.memory_space<semaphore_mem>>)
      %mul3A_181 = arith.constant 2 : i32
      %mul3A_182 = arith.muli %mul3A_181, %scan3A_77 : i32
      %add3A_183 = arith.constant 1 : i32
      %add3A_184 = arith.addi %mul3A_182, %add3A_183 : i32
      %lt3A = arith.constant 49 : i32
      %lt3A_185 = arith.cmpi slt, %scan3A_77, %lt3A : i32
      %convert_element_type3A_186 = arith.extui %lt3A_185 : i1 to i32
      %cond3A_187 = arith.constant 0 : i32
      %cond3A_188 = arith.cmpi ne, %convert_element_type3A_186, %cond3A_187 : i32
      scf.if %cond3A_188 {
        %add3A_248 = arith.constant 1 : i32
        %add3A_249 = arith.addi %add3A_184, %add3A_248 : i32
        %mul3A_250 = arith.constant 200 : i32
        %mul3A_251 = arith.muli %add3A, %mul3A_250 : i32
        %mul3A_252 = arith.constant 2 : i32
        %mul3A_253 = arith.muli %add3A_249, %mul3A_252 : i32
        %add3A_254 = arith.addi %mul3A_251, %mul3A_253 : i32
        "tpu.region"() ({
          %run_scoped3A = tpu.sem_alloc : memref<!tpu.dma_semaphore, #tpu.memory_space<semaphore_mem>>
          %dma_start3A_295 = arith.constant 0 : i32
          %dma_start3A_296 = tpu.memref_slice %arg2[%add3A_254, %dma_start3A_295] : memref<6400x128xi32, #tpu.memory_space<hbm>> -> memref<2x128xi32, #tpu.memory_space<hbm>>
          %dma_start3A_297 = arith.constant 0 : i32
          %dma_start3A_298 = tpu.memref_slice %arg2[%add3A_254, %dma_start3A_297] : memref<6400x128xi32, #tpu.memory_space<hbm>> -> memref<2x128xi32, #tpu.memory_space<hbm>>
          tpu.enqueue_dma source(%dma_start3A_298 : memref<2x128xi32, #tpu.memory_space<hbm>>) target(%arg10 : memref<2x128xi32, #tpu.memory_space<vmem>>) target_semaphore(%run_scoped3A : memref<!tpu.dma_semaphore, #tpu.memory_space<semaphore_mem>>)
          %dma_wait3A_299 = arith.constant 0 : i32
          %dma_wait3A_300 = tpu.memref_slice %arg2[%add3A_254, %dma_wait3A_299] : memref<6400x128xi32, #tpu.memory_space<hbm>> -> memref<2x128xi32, #tpu.memory_space<hbm>>
          %dma_wait3A_301 = arith.constant 0 : i32
          %dma_wait3A_302 = tpu.memref_slice %arg2[%add3A_254, %dma_wait3A_301] : memref<6400x128xi32, #tpu.memory_space<hbm>> -> memref<2x128xi32, #tpu.memory_space<hbm>>
          tpu.wait_dma2 semaphore(%run_scoped3A : memref<!tpu.dma_semaphore, #tpu.memory_space<semaphore_mem>>) src(%dma_wait3A_302 : memref<2x128xi32, #tpu.memory_space<hbm>>) dst(%arg10 : memref<2x128xi32, #tpu.memory_space<vmem>>)
          tpu.yield
        }) : () -> ()
        "tpu.region"() ({
          %run_scoped3A = tpu.sem_alloc : memref<!tpu.dma_semaphore, #tpu.memory_space<semaphore_mem>>
          %dma_start3A_295 = arith.constant 0 : i32
          %dma_start3A_296 = tpu.memref_slice %arg3[%add3A_254, %dma_start3A_295] : memref<6400x128xi32, #tpu.memory_space<hbm>> -> memref<2x128xi32, #tpu.memory_space<hbm>>
          %dma_start3A_297 = arith.constant 0 : i32
          %dma_start3A_298 = tpu.memref_slice %arg3[%add3A_254, %dma_start3A_297] : memref<6400x128xi32, #tpu.memory_space<hbm>> -> memref<2x128xi32, #tpu.memory_space<hbm>>
          tpu.enqueue_dma source(%dma_start3A_298 : memref<2x128xi32, #tpu.memory_space<hbm>>) target(%arg12 : memref<2x128xi32, #tpu.memory_space<vmem>>) target_semaphore(%run_scoped3A : memref<!tpu.dma_semaphore, #tpu.memory_space<semaphore_mem>>)
          %dma_wait3A_299 = arith.constant 0 : i32
          %dma_wait3A_300 = tpu.memref_slice %arg3[%add3A_254, %dma_wait3A_299] : memref<6400x128xi32, #tpu.memory_space<hbm>> -> memref<2x128xi32, #tpu.memory_space<hbm>>
          %dma_wait3A_301 = arith.constant 0 : i32
          %dma_wait3A_302 = tpu.memref_slice %arg3[%add3A_254, %dma_wait3A_301] : memref<6400x128xi32, #tpu.memory_space<hbm>> -> memref<2x128xi32, #tpu.memory_space<hbm>>
          tpu.wait_dma2 semaphore(%run_scoped3A : memref<!tpu.dma_semaphore, #tpu.memory_space<semaphore_mem>>) src(%dma_wait3A_302 : memref<2x128xi32, #tpu.memory_space<hbm>>) dst(%arg12 : memref<2x128xi32, #tpu.memory_space<vmem>>)
          tpu.yield
        }) : () -> ()
        %dma_start3A_255 = arith.constant 0 : i32
        %dma_start3A_256 = arith.constant 0 : i32
        %dma_start3A_257 = arith.constant 0 : i32
        %dma_start3A_258 = tpu.memref_slice %arg14[%dma_start3A_256, %dma_start3A_257] : memref<256x64xf32, #tpu.memory_space<vmem>> -> memref<128x64xf32, #tpu.memory_space<vmem>>
        %dma_start3A_259 = arith.constant 0 : i32
        %dma_start3A_260 = tpu.memref_slice %arg10[%dma_start3A_255, %dma_start3A_259] : memref<2x128xi32, #tpu.memory_space<vmem>> -> memref<1x128xi32, #tpu.memory_space<vmem>>
        %dma_start3A_261 = tpu.memref_squeeze %dma_start3A_260 : memref<1x128xi32, #tpu.memory_space<vmem>> -> memref<128xi32, #tpu.memory_space<vmem>>
        %dma_start3A_262 = arith.constant 0 : i32
        %dma_start3A_263 = arith.constant 0 : i32
        %dma_start3A_264 = tpu.memref_slice %arg4[%dma_start3A_262, %dma_start3A_263] : memref<1000000x64xf32, #tpu.memory_space<hbm>> -> memref<1000000x64xf32, #tpu.memory_space<hbm>>
        tpu.enqueue_indirect_dma source(%dma_start3A_264 : memref<1000000x64xf32, #tpu.memory_space<hbm>>) target(%dma_start3A_258 : memref<128x64xf32, #tpu.memory_space<vmem>>) offsets(%dma_start3A_261 : memref<128xi32, #tpu.memory_space<vmem>>) semaphore(%arg23 : memref<!tpu.dma_semaphore, #tpu.memory_space<semaphore_mem>>)
        %dma_start3A_265 = arith.constant 0 : i32
        %dma_start3A_266 = arith.constant 0 : i32
        %dma_start3A_267 = arith.constant 0 : i32
        %dma_start3A_268 = tpu.memref_slice %arg16[%dma_start3A_266, %dma_start3A_267] : memref<256x64xf32, #tpu.memory_space<vmem>> -> memref<128x64xf32, #tpu.memory_space<vmem>>
        %dma_start3A_269 = arith.constant 0 : i32
        %dma_start3A_270 = tpu.memref_slice %arg12[%dma_start3A_265, %dma_start3A_269] : memref<2x128xi32, #tpu.memory_space<vmem>> -> memref<1x128xi32, #tpu.memory_space<vmem>>
        %dma_start3A_271 = tpu.memref_squeeze %dma_start3A_270 : memref<1x128xi32, #tpu.memory_space<vmem>> -> memref<128xi32, #tpu.memory_space<vmem>>
        %dma_start3A_272 = arith.constant 0 : i32
        %dma_start3A_273 = arith.constant 0 : i32
        %dma_start3A_274 = tpu.memref_slice %arg5[%dma_start3A_272, %dma_start3A_273] : memref<512x64xf32, #tpu.memory_space<hbm>> -> memref<512x64xf32, #tpu.memory_space<hbm>>
        tpu.enqueue_indirect_dma source(%dma_start3A_274 : memref<512x64xf32, #tpu.memory_space<hbm>>) target(%dma_start3A_268 : memref<128x64xf32, #tpu.memory_space<vmem>>) offsets(%dma_start3A_271 : memref<128xi32, #tpu.memory_space<vmem>>) semaphore(%arg23 : memref<!tpu.dma_semaphore, #tpu.memory_space<semaphore_mem>>)
        %dma_start3A_275 = arith.constant 1 : i32
        %dma_start3A_276 = arith.constant 128 : i32
        %dma_start3A_277 = arith.constant 0 : i32
        %dma_start3A_278 = tpu.memref_slice %arg14[%dma_start3A_276, %dma_start3A_277] : memref<256x64xf32, #tpu.memory_space<vmem>> -> memref<128x64xf32, #tpu.memory_space<vmem>>
        %dma_start3A_279 = arith.constant 0 : i32
        %dma_start3A_280 = tpu.memref_slice %arg10[%dma_start3A_275, %dma_start3A_279] : memref<2x128xi32, #tpu.memory_space<vmem>> -> memref<1x128xi32, #tpu.memory_space<vmem>>
        %dma_start3A_281 = tpu.memref_squeeze %dma_start3A_280 : memref<1x128xi32, #tpu.memory_space<vmem>> -> memref<128xi32, #tpu.memory_space<vmem>>
        %dma_start3A_282 = arith.constant 0 : i32
        %dma_start3A_283 = arith.constant 0 : i32
        %dma_start3A_284 = tpu.memref_slice %arg4[%dma_start3A_282, %dma_start3A_283] : memref<1000000x64xf32, #tpu.memory_space<hbm>> -> memref<1000000x64xf32, #tpu.memory_space<hbm>>
        tpu.enqueue_indirect_dma source(%dma_start3A_284 : memref<1000000x64xf32, #tpu.memory_space<hbm>>) target(%dma_start3A_278 : memref<128x64xf32, #tpu.memory_space<vmem>>) offsets(%dma_start3A_281 : memref<128xi32, #tpu.memory_space<vmem>>) semaphore(%arg23 : memref<!tpu.dma_semaphore, #tpu.memory_space<semaphore_mem>>)
        %dma_start3A_285 = arith.constant 1 : i32
        %dma_start3A_286 = arith.constant 128 : i32
        %dma_start3A_287 = arith.constant 0 : i32
        %dma_start3A_288 = tpu.memref_slice %arg16[%dma_start3A_286, %dma_start3A_287] : memref<256x64xf32, #tpu.memory_space<vmem>> -> memref<128x64xf32, #tpu.memory_space<vmem>>
        %dma_start3A_289 = arith.constant 0 : i32
        %dma_start3A_290 = tpu.memref_slice %arg12[%dma_start3A_285, %dma_start3A_289] : memref<2x128xi32, #tpu.memory_space<vmem>> -> memref<1x128xi32, #tpu.memory_space<vmem>>
        %dma_start3A_291 = tpu.memref_squeeze %dma_start3A_290 : memref<1x128xi32, #tpu.memory_space<vmem>> -> memref<128xi32, #tpu.memory_space<vmem>>
        %dma_start3A_292 = arith.constant 0 : i32
        %dma_start3A_293 = arith.constant 0 : i32
        %dma_start3A_294 = tpu.memref_slice %arg5[%dma_start3A_292, %dma_start3A_293] : memref<512x64xf32, #tpu.memory_space<hbm>> -> memref<512x64xf32, #tpu.memory_space<hbm>>
        tpu.enqueue_indirect_dma source(%dma_start3A_294 : memref<512x64xf32, #tpu.memory_space<hbm>>) target(%dma_start3A_288 : memref<128x64xf32, #tpu.memory_space<vmem>>) offsets(%dma_start3A_291 : memref<128xi32, #tpu.memory_space<vmem>>) semaphore(%arg23 : memref<!tpu.dma_semaphore, #tpu.memory_space<semaphore_mem>>)
      } else {
      }
      %dma_wait3A_189 = arith.constant 0 : i32
      %dma_wait3A_190 = arith.constant 0 : i32
      %dma_wait3A_191 = arith.constant 0 : i32
      %dma_wait3A_192 = tpu.memref_slice %arg15[%dma_wait3A_190, %dma_wait3A_191] : memref<256x64xf32, #tpu.memory_space<vmem>> -> memref<128x64xf32, #tpu.memory_space<vmem>>
      %dma_wait3A_193 = arith.constant 0 : i32
      %dma_wait3A_194 = tpu.memref_slice %arg11[%dma_wait3A_189, %dma_wait3A_193] : memref<2x128xi32, #tpu.memory_space<vmem>> -> memref<1x128xi32, #tpu.memory_space<vmem>>
      %dma_wait3A_195 = tpu.memref_squeeze %dma_wait3A_194 : memref<1x128xi32, #tpu.memory_space<vmem>> -> memref<128xi32, #tpu.memory_space<vmem>>
      %dma_wait3A_196 = arith.constant 0 : i32
      %dma_wait3A_197 = arith.constant 0 : i32
      %dma_wait3A_198 = tpu.memref_slice %arg4[%dma_wait3A_196, %dma_wait3A_197] : memref<1000000x64xf32, #tpu.memory_space<hbm>> -> memref<1000000x64xf32, #tpu.memory_space<hbm>>
      tpu.wait_indirect_dma semaphore(%arg24 : memref<!tpu.dma_semaphore, #tpu.memory_space<semaphore_mem>>) src(%dma_wait3A_198 : memref<1000000x64xf32, #tpu.memory_space<hbm>>) dst(%dma_wait3A_192 : memref<128x64xf32, #tpu.memory_space<vmem>>)
      %dma_wait3A_199 = arith.constant 0 : i32
      %dma_wait3A_200 = arith.constant 0 : i32
      %dma_wait3A_201 = arith.constant 0 : i32
      %dma_wait3A_202 = tpu.memref_slice %arg17[%dma_wait3A_200, %dma_wait3A_201] : memref<256x64xf32, #tpu.memory_space<vmem>> -> memref<128x64xf32, #tpu.memory_space<vmem>>
      %dma_wait3A_203 = arith.constant 0 : i32
      %dma_wait3A_204 = tpu.memref_slice %arg13[%dma_wait3A_199, %dma_wait3A_203] : memref<2x128xi32, #tpu.memory_space<vmem>> -> memref<1x128xi32, #tpu.memory_space<vmem>>
      %dma_wait3A_205 = tpu.memref_squeeze %dma_wait3A_204 : memref<1x128xi32, #tpu.memory_space<vmem>> -> memref<128xi32, #tpu.memory_space<vmem>>
      %dma_wait3A_206 = arith.constant 0 : i32
      %dma_wait3A_207 = arith.constant 0 : i32
      %dma_wait3A_208 = tpu.memref_slice %arg5[%dma_wait3A_206, %dma_wait3A_207] : memref<512x64xf32, #tpu.memory_space<hbm>> -> memref<512x64xf32, #tpu.memory_space<hbm>>
      tpu.wait_indirect_dma semaphore(%arg24 : memref<!tpu.dma_semaphore, #tpu.memory_space<semaphore_mem>>) src(%dma_wait3A_208 : memref<512x64xf32, #tpu.memory_space<hbm>>) dst(%dma_wait3A_202 : memref<128x64xf32, #tpu.memory_space<vmem>>)
      %dma_wait3A_209 = arith.constant 1 : i32
      %dma_wait3A_210 = arith.constant 128 : i32
      %dma_wait3A_211 = arith.constant 0 : i32
      %dma_wait3A_212 = tpu.memref_slice %arg15[%dma_wait3A_210, %dma_wait3A_211] : memref<256x64xf32, #tpu.memory_space<vmem>> -> memref<128x64xf32, #tpu.memory_space<vmem>>
      %dma_wait3A_213 = arith.constant 0 : i32
      %dma_wait3A_214 = tpu.memref_slice %arg11[%dma_wait3A_209, %dma_wait3A_213] : memref<2x128xi32, #tpu.memory_space<vmem>> -> memref<1x128xi32, #tpu.memory_space<vmem>>
      %dma_wait3A_215 = tpu.memref_squeeze %dma_wait3A_214 : memref<1x128xi32, #tpu.memory_space<vmem>> -> memref<128xi32, #tpu.memory_space<vmem>>
      %dma_wait3A_216 = arith.constant 0 : i32
      %dma_wait3A_217 = arith.constant 0 : i32
      %dma_wait3A_218 = tpu.memref_slice %arg4[%dma_wait3A_216, %dma_wait3A_217] : memref<1000000x64xf32, #tpu.memory_space<hbm>> -> memref<1000000x64xf32, #tpu.memory_space<hbm>>
      tpu.wait_indirect_dma semaphore(%arg24 : memref<!tpu.dma_semaphore, #tpu.memory_space<semaphore_mem>>) src(%dma_wait3A_218 : memref<1000000x64xf32, #tpu.memory_space<hbm>>) dst(%dma_wait3A_212 : memref<128x64xf32, #tpu.memory_space<vmem>>)
      %dma_wait3A_219 = arith.constant 1 : i32
      %dma_wait3A_220 = arith.constant 128 : i32
      %dma_wait3A_221 = arith.constant 0 : i32
      %dma_wait3A_222 = tpu.memref_slice %arg17[%dma_wait3A_220, %dma_wait3A_221] : memref<256x64xf32, #tpu.memory_space<vmem>> -> memref<128x64xf32, #tpu.memory_space<vmem>>
      %dma_wait3A_223 = arith.constant 0 : i32
      %dma_wait3A_224 = tpu.memref_slice %arg13[%dma_wait3A_219, %dma_wait3A_223] : memref<2x128xi32, #tpu.memory_space<vmem>> -> memref<1x128xi32, #tpu.memory_space<vmem>>
      %dma_wait3A_225 = tpu.memref_squeeze %dma_wait3A_224 : memref<1x128xi32, #tpu.memory_space<vmem>> -> memref<128xi32, #tpu.memory_space<vmem>>
      %dma_wait3A_226 = arith.constant 0 : i32
      %dma_wait3A_227 = arith.constant 0 : i32
      %dma_wait3A_228 = tpu.memref_slice %arg5[%dma_wait3A_226, %dma_wait3A_227] : memref<512x64xf32, #tpu.memory_space<hbm>> -> memref<512x64xf32, #tpu.memory_space<hbm>>
      tpu.wait_indirect_dma semaphore(%arg24 : memref<!tpu.dma_semaphore, #tpu.memory_space<semaphore_mem>>) src(%dma_wait3A_228 : memref<512x64xf32, #tpu.memory_space<hbm>>) dst(%dma_wait3A_222 : memref<128x64xf32, #tpu.memory_space<vmem>>)
      %ge3A_229 = arith.constant 1 : i32
      %ge3A_230 = arith.cmpi sge, %scan3A_77, %ge3A_229 : i32
      %convert_element_type3A_231 = arith.extui %ge3A_230 : i1 to i32
      %cond3A_232 = arith.constant 0 : i32
      %cond3A_233 = arith.cmpi ne, %convert_element_type3A_231, %cond3A_232 : i32
      scf.if %cond3A_233 {
        %add3A_248 = arith.constant 0 : i32
        %add3A_249 = arith.addi %mul3A_2, %add3A_248 : i32
        %dma_wait3A_250 = arith.constant 0 : i32
        %dma_wait3A_251 = tpu.memref_slice %arg9[%add3A_249, %dma_wait3A_250] : memref<819200x64xf32, #tpu.memory_space<hbm>> -> memref<256x64xf32, #tpu.memory_space<hbm>>
        %dma_wait3A_252 = arith.constant 0 : i32
        %dma_wait3A_253 = tpu.memref_slice %arg9[%add3A_249, %dma_wait3A_252] : memref<819200x64xf32, #tpu.memory_space<hbm>> -> memref<256x64xf32, #tpu.memory_space<hbm>>
        tpu.wait_dma2 semaphore(%arg26 : memref<!tpu.dma_semaphore, #tpu.memory_space<semaphore_mem>>) src(%arg19 : memref<256x64xf32, #tpu.memory_space<vmem>>) dst(%dma_wait3A_253 : memref<256x64xf32, #tpu.memory_space<hbm>>)
      } else {
      }
      %mul3A_234 = arith.constant 256 : i32
      %mul3A_235 = arith.muli %add3A_184, %mul3A_234 : i32
      %rem3A_236 = arith.constant 200 : i32
      %rem3A_237 = arith.remsi %mul3A_235, %rem3A_236 : i32
      %parallel_loop3A_238 = arith.constant 0 : i32
      %parallel_loop3A_239 = arith.constant 256 : i32
      %parallel_loop3A_240 = arith.constant 1 : i32
      scf.for %parallel_loop3A_248 = %parallel_loop3A_238 to %parallel_loop3A_239 step %parallel_loop3A_240  : i32 {
        %parallel_loop3A_249 = arith.addi %parallel_loop3A_248, %rem3A_237 : i32
        %parallel_loop3A_250 = arith.constant 200 : i32
        %parallel_loop3A_251 = arith.remsi %parallel_loop3A_249, %parallel_loop3A_250 : i32
        %parallel_loop3A_252 = arith.index_cast %parallel_loop3A_248 : i32 to index
        %parallel_loop3A_253 = arith.constant 0 : index
        %parallel_loop3A_254 = tpu.vector_load %arg15[%parallel_loop3A_252, %parallel_loop3A_253] {strides = array<i32>} : memref<256x64xf32, #tpu.memory_space<vmem>>, vector<16xf32>,
        %parallel_loop3A_255 = arith.index_cast %parallel_loop3A_248 : i32 to index
        %parallel_loop3A_256 = arith.constant 0 : index
        %parallel_loop3A_257 = tpu.vector_load %arg17[%parallel_loop3A_255, %parallel_loop3A_256] {strides = array<i32>} : memref<256x64xf32, #tpu.memory_space<vmem>>, vector<16xf32>,
        %parallel_loop3A_258 = arith.addf %parallel_loop3A_254, %parallel_loop3A_257 : vector<16xf32>
        %parallel_loop3A_259 = arith.index_cast %parallel_loop3A_251 : i32 to index
        %parallel_loop3A_260 = arith.constant 0 : index
        %parallel_loop3A_261 = tpu.vector_load %arg20[%parallel_loop3A_259, %parallel_loop3A_260] {strides = array<i32>} : memref<200x64xf32, #tpu.memory_space<vmem>>, vector<16xf32>,
        %parallel_loop3A_262 = arith.addf %parallel_loop3A_258, %parallel_loop3A_261 : vector<16xf32>
        %parallel_loop3A_263 = arith.index_cast %parallel_loop3A_248 : i32 to index
        %parallel_loop3A_264 = arith.constant 16 : index
        %parallel_loop3A_265 = tpu.vector_load %arg15[%parallel_loop3A_263, %parallel_loop3A_264] {strides = array<i32>} : memref<256x64xf32, #tpu.memory_space<vmem>>, vector<16xf32>,
        %parallel_loop3A_266 = arith.index_cast %parallel_loop3A_248 : i32 to index
        %parallel_loop3A_267 = arith.constant 16 : index
        %parallel_loop3A_268 = tpu.vector_load %arg17[%parallel_loop3A_266, %parallel_loop3A_267] {strides = array<i32>} : memref<256x64xf32, #tpu.memory_space<vmem>>, vector<16xf32>,
        %parallel_loop3A_269 = arith.addf %parallel_loop3A_265, %parallel_loop3A_268 : vector<16xf32>
        %parallel_loop3A_270 = arith.index_cast %parallel_loop3A_251 : i32 to index
        %parallel_loop3A_271 = arith.constant 16 : index
        %parallel_loop3A_272 = tpu.vector_load %arg20[%parallel_loop3A_270, %parallel_loop3A_271] {strides = array<i32>} : memref<200x64xf32, #tpu.memory_space<vmem>>, vector<16xf32>,
        %parallel_loop3A_273 = arith.addf %parallel_loop3A_269, %parallel_loop3A_272 : vector<16xf32>
        %parallel_loop3A_274 = arith.index_cast %parallel_loop3A_248 : i32 to index
        %parallel_loop3A_275 = arith.constant 32 : index
        %parallel_loop3A_276 = tpu.vector_load %arg15[%parallel_loop3A_274, %parallel_loop3A_275] {strides = array<i32>} : memref<256x64xf32, #tpu.memory_space<vmem>>, vector<16xf32>,
        %parallel_loop3A_277 = arith.index_cast %parallel_loop3A_248 : i32 to index
        %parallel_loop3A_278 = arith.constant 32 : index
        %parallel_loop3A_279 = tpu.vector_load %arg17[%parallel_loop3A_277, %parallel_loop3A_278] {strides = array<i32>} : memref<256x64xf32, #tpu.memory_space<vmem>>, vector<16xf32>,
        %parallel_loop3A_280 = arith.addf %parallel_loop3A_276, %parallel_loop3A_279 : vector<16xf32>
        %parallel_loop3A_281 = arith.index_cast %parallel_loop3A_251 : i32 to index
        %parallel_loop3A_282 = arith.constant 32 : index
        %parallel_loop3A_283 = tpu.vector_load %arg20[%parallel_loop3A_281, %parallel_loop3A_282] {strides = array<i32>} : memref<200x64xf32, #tpu.memory_space<vmem>>, vector<16xf32>,
        %parallel_loop3A_284 = arith.addf %parallel_loop3A_280, %parallel_loop3A_283 : vector<16xf32>
        %parallel_loop3A_285 = arith.index_cast %parallel_loop3A_248 : i32 to index
        %parallel_loop3A_286 = arith.constant 48 : index
        %parallel_loop3A_287 = tpu.vector_load %arg15[%parallel_loop3A_285, %parallel_loop3A_286] {strides = array<i32>} : memref<256x64xf32, #tpu.memory_space<vmem>>, vector<16xf32>,
        %parallel_loop3A_288 = arith.index_cast %parallel_loop3A_248 : i32 to index
        %parallel_loop3A_289 = arith.constant 48 : index
        %parallel_loop3A_290 = tpu.vector_load %arg17[%parallel_loop3A_288, %parallel_loop3A_289] {strides = array<i32>} : memref<256x64xf32, #tpu.memory_space<vmem>>, vector<16xf32>,
        %parallel_loop3A_291 = arith.addf %parallel_loop3A_287, %parallel_loop3A_290 : vector<16xf32>
        %parallel_loop3A_292 = arith.index_cast %parallel_loop3A_251 : i32 to index
        %parallel_loop3A_293 = arith.constant 48 : index
        %parallel_loop3A_294 = tpu.vector_load %arg20[%parallel_loop3A_292, %parallel_loop3A_293] {strides = array<i32>} : memref<200x64xf32, #tpu.memory_space<vmem>>, vector<16xf32>,
        %parallel_loop3A_295 = arith.addf %parallel_loop3A_291, %parallel_loop3A_294 : vector<16xf32>
        %parallel_loop3A_296 = arith.addf %parallel_loop3A_262, %parallel_loop3A_273 : vector<16xf32>
        %parallel_loop3A_297 = arith.addf %parallel_loop3A_284, %parallel_loop3A_295 : vector<16xf32>
        %parallel_loop3A_298 = arith.addf %parallel_loop3A_296, %parallel_loop3A_297 : vector<16xf32>
        %parallel_loop3A_299 = arith.mulf %parallel_loop3A_262, %parallel_loop3A_262 : vector<16xf32>
        %parallel_loop3A_300 = arith.mulf %parallel_loop3A_273, %parallel_loop3A_273 : vector<16xf32>
        %parallel_loop3A_301 = arith.addf %parallel_loop3A_299, %parallel_loop3A_300 : vector<16xf32>
        %parallel_loop3A_302 = arith.mulf %parallel_loop3A_284, %parallel_loop3A_284 : vector<16xf32>
        %parallel_loop3A_303 = arith.mulf %parallel_loop3A_295, %parallel_loop3A_295 : vector<16xf32>
        %parallel_loop3A_304 = arith.addf %parallel_loop3A_302, %parallel_loop3A_303 : vector<16xf32>
        %parallel_loop3A_305 = arith.addf %parallel_loop3A_301, %parallel_loop3A_304 : vector<16xf32>
        %parallel_loop3A_306 = arith.constant true
        %parallel_loop3A_307 = vector.broadcast %parallel_loop3A_306 : i1 to vector<16xi1>
        %parallel_loop3A_308 = tpu.scan <sum>, %parallel_loop3A_298 masked %parallel_loop3A_307 : vector<16xf32>, vector<16xi1> -> vector<16xf32>
        %parallel_loop3A_309 = vector.extract %parallel_loop3A_308[15] : f32 from vector<16xf32>
        %parallel_loop3A_310 = arith.constant 1.562500e-02 : f32
        %parallel_loop3A_311 = arith.mulf %parallel_loop3A_309, %parallel_loop3A_310 : f32
        %parallel_loop3A_312 = arith.constant true
        %parallel_loop3A_313 = vector.broadcast %parallel_loop3A_312 : i1 to vector<16xi1>
        %parallel_loop3A_314 = tpu.scan <sum>, %parallel_loop3A_305 masked %parallel_loop3A_313 : vector<16xf32>, vector<16xi1> -> vector<16xf32>
        %parallel_loop3A_315 = vector.extract %parallel_loop3A_314[15] : f32 from vector<16xf32>
        %parallel_loop3A_316 = arith.constant 1.562500e-02 : f32
        %parallel_loop3A_317 = arith.mulf %parallel_loop3A_315, %parallel_loop3A_316 : f32
        %parallel_loop3A_318 = arith.mulf %parallel_loop3A_311, %parallel_loop3A_311 : f32
        %parallel_loop3A_319 = arith.subf %parallel_loop3A_317, %parallel_loop3A_318 : f32
        %parallel_loop3A_320 = vector.broadcast %parallel_loop3A_311 : f32 to vector<16xf32>
        %parallel_loop3A_321 = arith.constant 9.99999996E-13 : f32
        %parallel_loop3A_322 = arith.addf %parallel_loop3A_319, %parallel_loop3A_321 : f32
        %parallel_loop3A_323 = vector.broadcast %parallel_loop3A_322 : f32 to vector<16xf32>
        %parallel_loop3A_324 = vector.bitcast %parallel_loop3A_323 : vector<16xf32> to vector<16xi32>
        %parallel_loop3A_325 = arith.constant 1 : i32
        %parallel_loop3A_326 = vector.broadcast %parallel_loop3A_325 : i32 to vector<16xi32>
        %parallel_loop3A_327 = arith.shrsi %parallel_loop3A_324, %parallel_loop3A_326 : vector<16xi32>
        %parallel_loop3A_328 = arith.constant 1597463007 : i32
        %parallel_loop3A_329 = vector.broadcast %parallel_loop3A_328 : i32 to vector<16xi32>
        %parallel_loop3A_330 = arith.subi %parallel_loop3A_329, %parallel_loop3A_327 : vector<16xi32>
        %parallel_loop3A_331 = vector.bitcast %parallel_loop3A_330 : vector<16xi32> to vector<16xf32>
        %parallel_loop3A_332 = arith.constant 5.000000e-01 : f32
        %parallel_loop3A_333 = vector.broadcast %parallel_loop3A_332 : f32 to vector<16xf32>
        %parallel_loop3A_334 = arith.mulf %parallel_loop3A_333, %parallel_loop3A_323 : vector<16xf32>
        %parallel_loop3A_335 = arith.mulf %parallel_loop3A_334, %parallel_loop3A_331 : vector<16xf32>
        %parallel_loop3A_336 = arith.mulf %parallel_loop3A_335, %parallel_loop3A_331 : vector<16xf32>
        %parallel_loop3A_337 = arith.constant 1.500000e+00 : f32
        %parallel_loop3A_338 = vector.broadcast %parallel_loop3A_337 : f32 to vector<16xf32>
        %parallel_loop3A_339 = arith.subf %parallel_loop3A_338, %parallel_loop3A_336 : vector<16xf32>
        %parallel_loop3A_340 = arith.mulf %parallel_loop3A_331, %parallel_loop3A_339 : vector<16xf32>
        %parallel_loop3A_341 = arith.constant 5.000000e-01 : f32
        %parallel_loop3A_342 = vector.broadcast %parallel_loop3A_341 : f32 to vector<16xf32>
        %parallel_loop3A_343 = arith.mulf %parallel_loop3A_342, %parallel_loop3A_323 : vector<16xf32>
        %parallel_loop3A_344 = arith.mulf %parallel_loop3A_343, %parallel_loop3A_340 : vector<16xf32>
        %parallel_loop3A_345 = arith.mulf %parallel_loop3A_344, %parallel_loop3A_340 : vector<16xf32>
        %parallel_loop3A_346 = arith.constant 1.500000e+00 : f32
        %parallel_loop3A_347 = vector.broadcast %parallel_loop3A_346 : f32 to vector<16xf32>
        %parallel_loop3A_348 = arith.subf %parallel_loop3A_347, %parallel_loop3A_345 : vector<16xf32>
        %parallel_loop3A_349 = arith.mulf %parallel_loop3A_340, %parallel_loop3A_348 : vector<16xf32>
        %parallel_loop3A_350 = arith.constant 5.000000e-01 : f32
        %parallel_loop3A_351 = vector.broadcast %parallel_loop3A_350 : f32 to vector<16xf32>
        %parallel_loop3A_352 = arith.mulf %parallel_loop3A_351, %parallel_loop3A_323 : vector<16xf32>
        %parallel_loop3A_353 = arith.mulf %parallel_loop3A_352, %parallel_loop3A_349 : vector<16xf32>
        %parallel_loop3A_354 = arith.mulf %parallel_loop3A_353, %parallel_loop3A_349 : vector<16xf32>
        %parallel_loop3A_355 = arith.constant 1.500000e+00 : f32
        %parallel_loop3A_356 = vector.broadcast %parallel_loop3A_355 : f32 to vector<16xf32>
        %parallel_loop3A_357 = arith.subf %parallel_loop3A_356, %parallel_loop3A_354 : vector<16xf32>
        %parallel_loop3A_358 = arith.mulf %parallel_loop3A_349, %parallel_loop3A_357 : vector<16xf32>
        %parallel_loop3A_359 = arith.subf %parallel_loop3A_262, %parallel_loop3A_320 : vector<16xf32>
        %parallel_loop3A_360 = arith.mulf %parallel_loop3A_359, %parallel_loop3A_358 : vector<16xf32>
        %parallel_loop3A_361 = arith.mulf %parallel_loop3A_360, %get3A_3 : vector<16xf32>
        %parallel_loop3A_362 = arith.addf %parallel_loop3A_361, %get3A_11 : vector<16xf32>
        %parallel_loop3A_363 = arith.index_cast %parallel_loop3A_248 : i32 to index
        %parallel_loop3A_364 = arith.constant 0 : index
        %parallel_loop3A_365 = tpu.vector_load %arg19[%parallel_loop3A_363, %parallel_loop3A_364] {strides = array<i32>} : memref<256x64xf32, #tpu.memory_space<vmem>>, vector<16xf32>,
        tpu.vector_store %arg19[%parallel_loop3A_363, %parallel_loop3A_364], %parallel_loop3A_362 {strides = array<i32>} : memref<256x64xf32, #tpu.memory_space<vmem>>, vector<16xf32>,
        %parallel_loop3A_366 = arith.subf %parallel_loop3A_273, %parallel_loop3A_320 : vector<16xf32>
        %parallel_loop3A_367 = arith.mulf %parallel_loop3A_366, %parallel_loop3A_358 : vector<16xf32>
        %parallel_loop3A_368 = arith.mulf %parallel_loop3A_367, %get3A_5 : vector<16xf32>
        %parallel_loop3A_369 = arith.addf %parallel_loop3A_368, %get3A_13 : vector<16xf32>
        %parallel_loop3A_370 = arith.index_cast %parallel_loop3A_248 : i32 to index
        %parallel_loop3A_371 = arith.constant 16 : index
        %parallel_loop3A_372 = tpu.vector_load %arg19[%parallel_loop3A_370, %parallel_loop3A_371] {strides = array<i32>} : memref<256x64xf32, #tpu.memory_space<vmem>>, vector<16xf32>,
        tpu.vector_store %arg19[%parallel_loop3A_370, %parallel_loop3A_371], %parallel_loop3A_369 {strides = array<i32>} : memref<256x64xf32, #tpu.memory_space<vmem>>, vector<16xf32>,
        %parallel_loop3A_373 = arith.subf %parallel_loop3A_284, %parallel_loop3A_320 : vector<16xf32>
        %parallel_loop3A_374 = arith.mulf %parallel_loop3A_373, %parallel_loop3A_358 : vector<16xf32>
        %parallel_loop3A_375 = arith.mulf %parallel_loop3A_374, %get3A_7 : vector<16xf32>
        %parallel_loop3A_376 = arith.addf %parallel_loop3A_375, %get3A_15 : vector<16xf32>
        %parallel_loop3A_377 = arith.index_cast %parallel_loop3A_248 : i32 to index
        %parallel_loop3A_378 = arith.constant 32 : index
        %parallel_loop3A_379 = tpu.vector_load %arg19[%parallel_loop3A_377, %parallel_loop3A_378] {strides = array<i32>} : memref<256x64xf32, #tpu.memory_space<vmem>>, vector<16xf32>,
        tpu.vector_store %arg19[%parallel_loop3A_377, %parallel_loop3A_378], %parallel_loop3A_376 {strides = array<i32>} : memref<256x64xf32, #tpu.memory_space<vmem>>, vector<16xf32>,
        %parallel_loop3A_380 = arith.subf %parallel_loop3A_295, %parallel_loop3A_320 : vector<16xf32>
        %parallel_loop3A_381 = arith.mulf %parallel_loop3A_380, %parallel_loop3A_358 : vector<16xf32>
        %parallel_loop3A_382 = arith.mulf %parallel_loop3A_381, %get3A_9 : vector<16xf32>
        %parallel_loop3A_383 = arith.addf %parallel_loop3A_382, %get3A_17 : vector<16xf32>
        %parallel_loop3A_384 = arith.index_cast %parallel_loop3A_248 : i32 to index
        %parallel_loop3A_385 = arith.constant 48 : index
        %parallel_loop3A_386 = tpu.vector_load %arg19[%parallel_loop3A_384, %parallel_loop3A_385] {strides = array<i32>} : memref<256x64xf32, #tpu.memory_space<vmem>>, vector<16xf32>,
        tpu.vector_store %arg19[%parallel_loop3A_384, %parallel_loop3A_385], %parallel_loop3A_383 {strides = array<i32>} : memref<256x64xf32, #tpu.memory_space<vmem>>, vector<16xf32>,
      } {sc.loop_unroll_factor = 4 : i64, sc.parallel_access}
      %mul3A_241 = arith.constant 256 : i32
      %mul3A_242 = arith.muli %add3A_184, %mul3A_241 : i32
      %add3A_243 = arith.addi %mul3A_2, %mul3A_242 : i32
      %dma_start3A_244 = arith.constant 0 : i32
      %dma_start3A_245 = tpu.memref_slice %arg9[%add3A_243, %dma_start3A_244] : memref<819200x64xf32, #tpu.memory_space<hbm>> -> memref<256x64xf32, #tpu.memory_space<hbm>>
      %dma_start3A_246 = arith.constant 0 : i32
      %dma_start3A_247 = tpu.memref_slice %arg9[%add3A_243, %dma_start3A_246] : memref<819200x64xf32, #tpu.memory_space<hbm>> -> memref<256x64xf32, #tpu.memory_space<hbm>>
      tpu.enqueue_dma source(%arg19 : memref<256x64xf32, #tpu.memory_space<vmem>>) target(%dma_start3A_247 : memref<256x64xf32, #tpu.memory_space<hbm>>) target_semaphore(%arg26 : memref<!tpu.dma_semaphore, #tpu.memory_space<semaphore_mem>>)
    }
    %scan3A_65 = arith.constant 50 : i32
    %add3A_66 = arith.constant 0 : i32
    %add3A_67 = arith.addi %mul3A_2, %add3A_66 : i32
    %dma_wait3A = arith.constant 0 : i32
    %dma_wait3A_68 = tpu.memref_slice %arg9[%add3A_67, %dma_wait3A] : memref<819200x64xf32, #tpu.memory_space<hbm>> -> memref<256x64xf32, #tpu.memory_space<hbm>>
    %dma_wait3A_69 = arith.constant 0 : i32
    %dma_wait3A_70 = tpu.memref_slice %arg9[%add3A_67, %dma_wait3A_69] : memref<819200x64xf32, #tpu.memory_space<hbm>> -> memref<256x64xf32, #tpu.memory_space<hbm>>
    tpu.wait_dma2 semaphore(%arg25 : memref<!tpu.dma_semaphore, #tpu.memory_space<semaphore_mem>>) src(%arg18 : memref<256x64xf32, #tpu.memory_space<vmem>>) dst(%dma_wait3A_70 : memref<256x64xf32, #tpu.memory_space<hbm>>)
    %add3A_71 = arith.constant 0 : i32
    %add3A_72 = arith.addi %mul3A_2, %add3A_71 : i32
    %dma_wait3A_73 = arith.constant 0 : i32
    %dma_wait3A_74 = tpu.memref_slice %arg9[%add3A_72, %dma_wait3A_73] : memref<819200x64xf32, #tpu.memory_space<hbm>> -> memref<256x64xf32, #tpu.memory_space<hbm>>
    %dma_wait3A_75 = arith.constant 0 : i32
    %dma_wait3A_76 = tpu.memref_slice %arg9[%add3A_72, %dma_wait3A_75] : memref<819200x64xf32, #tpu.memory_space<hbm>> -> memref<256x64xf32, #tpu.memory_space<hbm>>
    tpu.wait_dma2 semaphore(%arg26 : memref<!tpu.dma_semaphore, #tpu.memory_space<semaphore_mem>>) src(%arg19 : memref<256x64xf32, #tpu.memory_space<vmem>>) dst(%dma_wait3A_76 : memref<256x64xf32, #tpu.memory_space<hbm>>)
    return
  }
}

</mosaic_0001>

<sc_bundles>
// kernel: _run.3.cloned.1.call-start
scs
__scs_entry_jumppad:
0x0: {  	(pc) =	sbr.rel $0x88, $3  }
0x1: {  	(tag) =	ssettag $0x0;
	lr =	simm.s32 $0x1  }
0x2: {  	[smem:$0x3F9A] =	sst lr;
	_ =	strace $0xD0000000  }
0x3: {  	_ = 	snop  }
0x4: {  	_ = 	snop  }
0x5: {  	_ = 	snop  }
0x6: {  	_ = 	snop  }
0x7: {  	_ = 	snop  }
__scs_overlays_trampoline_lowered:
0x8: {  	[smem:$0x3FA9] =	sst s0  }
0x9: {  	[smem:$0x3FAA] =	sst s1  }
0xa: {  	[smem:$0x3FAB] =	sst s2  }
0xb: {  	[smem:$0x3FAC] =	sst s3  }
0xc: {  	[smem:$0x3FAD] =	sst s4  }
0xd: {  	[smem:$0x3FAE] =	sst s5  }
0xe: {  	[smem:$0x3FAF] =	sst s6  }
0xf: {  	[smem:$0x3FB0] =	sst s7  }
0x10: {  	[smem:$0x3FB1] =	sst s8  }
0x11: {  	[smem:$0x3FB2] =	sst s9;
	s0 =	simm.s32 @!p0 $0x0  }
0x12: {  	s1 =	sld [smem:$0x3F98];
	s0 =	simm.s32 @p0 $0x1  }
0x13: {  	[smem:$0x3FB3] =	sst s0;
	s0 =	simm.s32 @!p1 $0x0  }
0x14: {  	s2 =	sld [smem:$0x3F97];
	s0 =	simm.s32 @p1 $0x1  }
0x15: {  	[smem:$0x3FB4] =	sst s0;
	s0 =	simm.s32 @!p2 $0x0  }
0x16: {  	s3 =	sld [smem:$0x3FDB];
	s0 =	simm.s32 @p2 $0x1  }
0x17: {  	s4 =	simm.s32 $0x1BF5;
	[smem:$0x3FB6] =	sst s0  }
0x18: {  	s0 =	sld [smem:$0x3F99];
	_ =	swait.ge [sflag:s4], $0x0  }
0x19: {  	s7 =	sld [smem:$0x3F9A]  }
0x1a: {  	s8 =	sadd.s32 $0xFFFFE003, lr  }
0x1b: {  	s9 =	sadd.s32 $0xFFFFFEF7, lr;
	s5 =	simm.s32 $0xFFFFFFFF;
	p2 =	slt.u32 s8, $0xFFFFF086  }
0x1c: {  	p1 =	slt.u32 s9, $0xF7A;
	s5 =	simm.s32 @!p2 $0x0  }
0x1d: {  	s5 =	simm.s32 @p1 $0x1;
	p0 =	seq.s32 s7, s2  }
0x1e: {  	s7 =	smul.u32 @!p0 $0xF7A, s2;
	p2 =	seq.s32 @!p0 s5, $0x0  }
0x1f: {  	s9 =	smul.u32 $0xF7A, s1;
	s8 =	simm.s32 @!p0 $0x1BF5;
	p2 =	por !p2, p0  }
0x20: {  	[sflag:s8] =	ssyncset.s32 @!p0 $0xFFFFF086;
	s6 =	sadd.s32 @!p0 s3, s7;
	s7 =	simm.s32 @!p0 $0x108  }
0x21: {  	s3 =	sadd.s32 s3, s9;
	s6 =	sadd.s32 @!p0 $0x88, s6;
	s7 =	simm.s32 @p2 $0x1082  }
0x22: {  	[simem:s7], [sflag:s8] =	dma.local @!p0 [hbm:s6], $0xF7A  }
0x23: {  	s9 =	sor.u32 $0xD0000000, s2;
	s6 =	simm.s32 $0x108;
	_ =	swait.ge @!p0 [sflag:s8], $0x0  }
0x24: {  	s3 =	sadd.s32 $0x88, s3;
	s6 =	simm.s32 @!p1 $0x1082;
	[sflag:s4] =	ssyncset.s32 $0xFFFFF086  }
0x25: {  	[simem:s6], [sflag:s4] =	dma.local [hbm:s3], $0xF7A  }
0x26: {  	[smem:$0x3F9A] =	sst s1;
	(tag) =	ssettag s2;
	_ =	strace s9  }
0x27: {  	s1 =	sld [smem:$0x3FAA]  }
0x28: {  	s2 =	sld [smem:$0x3FAB]  }
0x29: {  	s4 =	sld [smem:$0x3FAD]  }
0x2a: {  	p0 =	seq.s32 s5, $0x0;
	s5 =	sld [smem:$0x3FAE]  }
0x2b: {  	s6 =	sld [smem:$0x3FAF]  }
0x2c: {  	s7 =	sld [smem:$0x3FB0]  }
0x2d: {  	s3 =	simm.s32 $0x108;
	s8 =	sld [smem:$0x3FB1]  }
0x2e: {  	s3 =	simm.s32 @!p0 $0x1082;
	s9 =	sld [smem:$0x3FB2]  }
0x2f: {  	lr =	sadd.s32 s0, s3;
	s0 =	sld [smem:$0x3FA9]  }
0x30: {  	s3 =	sld [smem:$0x3FAC]  }
0x31: {  	[smem:$0x3FB5] =	sst s10  }
0x32: {  	s10 =	sld [smem:$0x3FB3];
	_ =	sdelay $0x3  }
0x33: {  	p0 =	seq.s32 s10, $0x1;
	s10 =	sld [smem:$0x3FB5];
	_ =	sdelay $0x3  }
0x34: {  	[smem:$0x3FB5] =	sst s10  }
0x35: {  	s10 =	sld [smem:$0x3FB4];
	_ =	sdelay $0x3  }
0x36: {  	p1 =	seq.s32 s10, $0x1;
	s10 =	sld [smem:$0x3FB5];
	_ =	sdelay $0x3  }
0x37: {  	[smem:$0x3FB5] =	sst s10  }
0x38: {  	s10 =	sld [smem:$0x3FB6]  }
0x39: {  	_ = 	snop;
	(pc) =	sbr.ind lr, $3  }
0x3a: {  	_ = 	snop  }
0x3b: {  	_ = 	snop  }
0x3c: {  	p2 =	seq.s32 s10, $0x1;
	s10 =	sld [smem:$0x3FB5]  }
0x3d: {  	_ =	shalt  }
0x3e: {  	_ =	shalt  }
0x3f: {  	_ =	shalt  }
0x40: {  	_ =	shalt  }
0x41: {  	_ =	shalt  }
0x42: {  	_ =	shalt  }
0x43: {  	_ =	shalt  }
0x44: {  	_ =	shalt  }
0x45: {  	_ =	shalt  }
0x46: {  	_ =	shalt  }
0x47: {  	_ =	shalt  }
0x48: {  	_ =	shalt  }
0x49: {  	_ =	shalt  }
0x4a: {  	_ =	shalt  }
0x4b: {  	_ =	shalt  }
0x4c: {  	_ =	shalt  }
0x4d: {  	_ =	shalt  }
0x4e: {  	_ =	shalt  }
0x4f: {  	_ =	shalt  }
0x50: {  	_ =	shalt  }
0x51: {  	_ =	shalt  }
0x52: {  	_ =	shalt  }
0x53: {  	_ =	shalt  }
0x54: {  	_ =	shalt  }
0x55: {  	_ =	shalt  }
0x56: {  	_ =	shalt  }
0x57: {  	_ =	shalt  }
0x58: {  	_ =	shalt  }
0x59: {  	_ =	shalt  }
0x5a: {  	_ =	shalt  }
0x5b: {  	_ =	shalt  }
0x5c: {  	_ =	shalt  }
0x5d: {  	_ =	shalt  }
0x5e: {  	_ =	shalt  }
0x5f: {  	_ =	shalt  }
0x60: {  	_ =	shalt  }
0x61: {  	_ =	shalt  }
0x62: {  	_ =	shalt  }
0x63: {  	_ =	shalt  }
0x64: {  	_ =	shalt  }
0x65: {  	_ =	shalt  }
0x66: {  	_ =	shalt  }
0x67: {  	_ =	shalt  }
0x68: {  	_ =	shalt  }
0x69: {  	_ =	shalt  }
0x6a: {  	_ =	shalt  }
0x6b: {  	_ =	shalt  }
0x6c: {  	_ =	shalt  }
0x6d: {  	_ =	shalt  }
0x6e: {  	_ =	shalt  }
0x6f: {  	_ =	shalt  }
0x70: {  	_ =	shalt  }
0x71: {  	_ =	shalt  }
0x72: {  	_ =	shalt  }
0x73: {  	_ =	shalt  }
0x74: {  	_ =	shalt  }
0x75: {  	_ =	shalt  }
0x76: {  	_ =	shalt  }
0x77: {  	_ =	shalt  }
0x78: {  	_ =	shalt  }
0x79: {  	_ =	shalt  }
0x7a: {  	_ =	shalt  }
0x7b: {  	_ =	shalt  }
0x7c: {  	_ =	shalt  }
0x7d: {  	_ =	shalt  }
0x7e: {  	_ =	shalt  }
0x7f: {  	_ =	shalt  }
0x80: {  	_ =	shalt  }
0x81: {  	_ =	shalt  }
0x82: {  	_ =	shalt  }
0x83: {  	_ =	shalt  }
0x84: {  	_ =	shalt  }
0x85: {  	_ =	shalt  }
0x86: {  	_ =	shalt  }
0x87: {  	_ =	shalt  }
.Lfunc_end0:
.L_simem_size_0:
called_computation.1_lowered:
.L_overlay_start_0:
0x88: {  	s2 =	sld [smem:$0x3FD9]  }
0x89: {  	s3 =	sld [smem:$0x3FFE];
	_ =	sdelay $0x1  }
0x8a: {  	s1 =	srdreg.scid  }
0x8b: {  	s0 =	sand.u32 $0x1, s1  }
0x8c: {  	s17 =	sshll.u32 s0, $0xA;
	s2 =	sadd.s32 s3, s2  }
0x8d: {  	s2 =	sadd.s32 s2, s17  }
0x8e: {  	[smem:$0x3FC1] =	sst s2  }
0x8f: {  	_ = 	snop  }
0x90: {  	s2 =	sld [smem:$0x3FC9]  }
0x91: {  	s18 =	sld [smem:$0x3FC8]  }
0x92: {  	s4 =	sld [smem:$0x3FC4]  }
0x93: {  	s5 =	sld [smem:$0x3FC3]  }
0x94: {  	s6 =	sld [smem:$0x3FD0];
	(tm) =	ssettm $0x1  }
0x95: {  	s7 =	sld [smem:$0x3FFB];
	_ =	sdelay $0x3  }
0x96: {  	_ =	strace s7  }
0x97: {  	s7 =	sld [smem:$0x3FFC];
	_ =	sdelay $0x3  }
0x98: {  	_ =	strace s7  }
0x99: {  	s7 =	sld [smem:$0x3FFD];
	_ =	sdelay $0x3  }
0x9a: {  	_ =	strace s7  }
0x9b: {  	_ =	strace $0x8FFFFFFF  }
0x9c: {  	s19 =	sld [smem:$0x3FDB];
	_ =	sdelay $0x1  }
0x9d: {  	s8 =	simm.s32 $_scs_section_size  }
0x9e: {  	s9 =	simm.s32 $_size__tile_overlayer_lowered;
	s10 =	simm.s32 $_tile_overlayer_lowered  }
0x9f: {  	s22 =	simm.s32 $0x1BFF;
	s21 =	sshll.u32 s10, $0x1;
	s7 =	sadd.s32 s8, s19  }
0xa0: {  	s11 =	simm.s32 $0x0;
	s20 =	sshll.u32 s9, $0x1;
	s9 =	sadd.s32 s21, s7  }
0xa1: {  	[timem:s11], [sflag:s22] =	dma.local [hbm:s9], s20  }
0xa2: {  	_ =	swait.ge [sflag:s22], s20  }
0xa3: {  	s8 =	ssub.s32 $0x0, s20;
	[sflag:s22] =	ssyncset.done $0x0  }
0xa4: {  	[sflag:s22] =	ssyncadd.s32 s8;
	_ =	sdelay $0x1  }
0xa5: {  	s23 =	simm.s32 $0x1B8B  }
0xa6: {  	_ =	swait.ge [sflag:s23], $0x1  }
0xa7: {  	[sflag:s23] =	ssyncset.done $0x0  }
0xa8: {  	s25 =	simm.s32 $0x1B8E;
	s24 =	sld [smem:$0x3FFE];
	[sflag:s23] =	ssyncadd.s32 $0xFFFFFFFF  }
0xa9: {  	s26 =	simm.s32 $execute0_lowered;
	[smem:$0x3FD2] =	sst s25  }
0xaa: {  	s9 =	sshll.u32 s26, $0x1;
	_ =	strace $0x80000046;
	[dreg:$0x1] =	wrdreg $0xFFFFFFFF  }
0xab: {  	s28 =	simm.s32 $_size_execute0_lowered;
	s7 =	sadd.s32 s7, s9;
	[dreg:$0x0] =	wrdreg $0x0  }
0xac: {  	s9 =	sshll.u32 s28, $0x1;
	[dreg:$0x2] =	wrdreg s7  }
0xad: {  	[dreg:$0x3] =	wrdreg s9  }
0xae: {  	[dreg:$0x4] =	wrdreg $0xC0  }
0xaf: {  	_ =	task [dreg:s11], $0x5FFFF  }
0xb0: {  	[dreg:$0x1] =	wrdreg $0xFFFFFFFF  }
0xb1: {  	[dreg:$0x0] =	wrdreg $0x60  }
0xb2: {  	[dreg:$0x2] =	wrdreg s2  }
0xb3: {  	[dreg:$0x3] =	wrdreg s18  }
0xb4: {  	[dreg:$0x4] =	wrdreg s24  }
0xb5: {  	[dreg:$0x5] =	wrdreg s4  }
0xb6: {  	[dreg:$0x6] =	wrdreg s5  }
0xb7: {  	[dreg:$0x7] =	wrdreg s6  }
0xb8: {  	[dreg:$0x8] =	wrdreg $0x9  }
0xb9: {  	_ =	task.clear_ibuf [dreg:s11], $0x9FFFF;
	_ =	strace $0x90000046  }
0xba: {  	s29 =	simm.s32 $0x9;
	_ =	strace $0x80000048  }
0xbb: {  	_ =	swait.ge [sflag:s29], $0x1  }
0xbc: {  	[sflag:s29] =	ssyncadd.s32 $0xFFFFFFFF  }
0xbd: {  	_ =	strace $0x90000048  }
0xbe: {  	_ =	sfence  }
0xbf: {  	s30 =	sld [smem:$0x0];
	_ =	sdelay $0x2  }
0xc0: {  	s31 =	sshll.u32 s1, $0xD;
	s1 =	sshrl.u32 s1, $0x2  }
0xc1: {  	s3 =	sand.u32 $0x4000, s31;
	s1 =	sadd.s32 s1, s30  }
0xc2: {  	s0 =	sor.u32 s3, s0;
	s1 =	sshll.u32 s1, $0x11  }
0xc3: {  	s0 =	sor.u32 s1, s0  }
0xc4: {  	s0 =	sadd.s32 $0x8F2B, s0  }
0xc5: {  	[sflag:s0] =	ssyncadd.remote.s32 $0x1  }
0xc6: {  	_ =	sfence.sel $0xFFFF  }
0xc7: {  	[dreg:$0x0] =	wrdreg $0xFFFFFFFF;
	(pc) =	sbr.abs _section_cstart, $3  }
0xc8: {  	[dreg:$0x1] =	wrdreg $0xFFFFFFFF  }
0xc9: {  	_ =	task.clear_ibuf [dreg:s11], $0x2FFFF;
	_ =	strace $0x9FFFFFFF  }
0xca: {  	(tm) =	ssettm $0x7FFFFFFF  }
0xcb: {  	_ =	shalt  }
tec
execute0_lowered:
.L_overlay_start_1:
0x0: {  	(tag) =	ssettag $0x1  }
0x1: {  	s1 =	rddreg [dreg:$0x0]  }
0x2: {  	s22 =	rddreg [dreg:$0x1]  }
0x3: {  	s0 =	rddreg [dreg:$0x2];
	s7 =	simm.s32 $0x0  }
0x4: {  	s3 =	srdreg.scid;
	s2 =	stileid.u32;
	s17 =	simm.s32 $0x5  }
0x5: {  	s21 =	simm.s32 $0x80;
	s28 =	simm.s32 $0x100;
	s29 =	simm.s32 $0x300  }
0x6: {  	s16 =	simm.s32 $0x1;
	s3 =	sand.u32 $0x1, s3;
	s4 =	sshll.u32 s2, $0x1  }
0x7: {  	s19 =	simm.s32 $0x2;
	s6 =	ssub.s32 $0x2, s3;
	s3 =	sor.u32 s3, s4  }
0x8: {  	[smem:$0x7FF] =	sst s7;
	s8 =	sadd.s32 $0xF43000, s0;
	s10 =	smul.u32 $0xC80, s3  }
0x9: {  	s9 =	sadd.s32 $0x1C00, s0;
	s0 =	sadd.s32 $0xC00, s0;
	_ =	strace $0x80000047  }
0xa: {  	[dreg:$0x9] =	wrdreg s0;
	s25 =	sshrl.u32 s6, $0x1;
	s30 =	sadd.s32 s1, s10  }
0xb: {  	s26 =	ssub.s32 s6, s25;
	s31 =	sadd.s32 s22, s10;
	[dreg:$0xa] =	wrdreg s30  }
0xc: {  	s11 =	smul.u32 $0x6400, s3;
	s0 =	smax.u32 s26, $0x1;
	[dreg:$0xb] =	wrdreg s31  }
0xd: {  	s3 =	simm.s32 $0x0;
	s15 =	sor.u32 $0x40, s10;
	[dreg:$0xc] =	wrdreg s0  }
.LBB2_1:
0xe: {  	[dreg:$0xd] =	wrdreg s3  }
0xf: {  	s0 =	rddreg [dreg:$0x9];
	s2 =	simm.s32 $0x18400  }
0x10: {  	[tilespmem:s2], [sflag:$0x5] =	stream.linear.gather [hbm4b:s0+s7], $0x3200, $0x38;
	[tilespmem:$0x1B680] =	vst v63  }
0x11: {  	_ =	swait.ge [sflag:s17], $0x3200  }
0x12: {  	[sflag:s17] =	ssyncset.done $0x0  }
0x13: {  	[sflag:s17] =	ssyncadd.s32 $0xFFFFCE00  }
0x14: {  	s12 =	simm.s32 $0x1B600;
	s10 =	rddreg [dreg:$0x3]  }
0x15: {  	[tilespmem:s12], [sflag:$0x5] =	stream.linear.gather [hbm4b:s10+s7], $0x40, $0x38;
	[tilespmem:$0x1B680] =	vst v63  }
0x16: {  	_ =	swait.ge [sflag:s17], $0x40  }
0x17: {  	[sflag:s17] =	ssyncset.done $0x0  }
0x18: {  	[sflag:s17] =	ssyncadd.s32 $0xFFFFFFC0  }
0x19: {  	s14 =	simm.s32 $0x1B640;
	s13 =	rddreg [dreg:$0x4]  }
0x1a: {  	[tilespmem:s14], [sflag:$0x5] =	stream.linear.gather [hbm4b:s13+s7], $0x40, $0x38;
	[tilespmem:$0x1B680] =	vst v63  }
0x1b: {  	_ =	swait.ge [sflag:s17], $0x40  }
0x1c: {  	[sflag:s17] =	ssyncset.done $0x0  }
0x1d: {  	[sflag:s17] =	ssyncadd.s32 $0xFFFFFFC0  }
0x1e: {  	v0 =	vld [tilespmem:$0x1B600]  }
0x1f: {  	v1 =	vld [tilespmem:$0x1B610]  }
0x20: {  	v2 =	vld [tilespmem:$0x1B620]  }
0x21: {  	v3 =	vld [tilespmem:$0x1B630]  }
0x22: {  	v4 =	vld [tilespmem:$0x1B640]  }
0x23: {  	v5 =	vld [tilespmem:$0x1B650]  }
0x24: {  	s18 =	rddreg [dreg:$0xa];
	v6 =	vld [tilespmem:$0x1B660]  }
0x25: {  	v7 =	vld [tilespmem:$0x1B670];
	[tilespmem:s7], [sflag:$0x5] =	stream.linear.gather [hbm4b:s18+s7], $0x100, $0x38  }
0x26: {  	_ =	swait.ge [sflag:s17], $0x100  }
0x27: {  	[sflag:s17] =	ssyncset.done $0x0  }
0x28: {  	s23 =	simm.s32 $0x200;
	s20 =	rddreg [dreg:$0xb];
	[sflag:s17] =	ssyncadd.s32 $0xFFFFFF00  }
0x29: {  	[tilespmem:s23], [sflag:$0x5] =	stream.linear.gather [hbm4b:s20+s7], $0x100, $0x38;
	[tilespmem:$0x1B680] =	vst v63  }
0x2a: {  	_ =	swait.ge [sflag:s17], $0x100  }
0x2b: {  	[sflag:s17] =	ssyncset.done $0x0  }
0x2c: {  	s24 =	simm.s32 $0x400;
	[sflag:s17] =	ssyncadd.s32 $0xFFFFFF00  }
0x2d: {  	[tilespmem:s24], [sflag:$0x1] =	stream.indirect.gather [hbm4b:s8+s21], $0x40, s7, s21, $0xb8;
	[tilespmem:$0x1B680] =	vst v63  }
0x2e: {  	s25 =	simm.s32 $0x8400  }
0x2f: {  	[tilespmem:s25], [sflag:$0x1] =	stream.indirect.gather [hbm4b:s9+s21], $0x40, s23, s21, $0xb8;
	[tilespmem:$0x1B680] =	vst v63  }
0x30: {  	s26 =	simm.s32 $0x2400;
	s30 =	simm.s32 $0x280;
	s31 =	simm.s32 $0xA400  }
0x31: {  	[tilespmem:s26], [sflag:$0x1] =	stream.indirect.gather [hbm4b:s8+s21], $0x40, s21, s21, $0xb8;
	[tilespmem:$0x1B680] =	vst v63  }
0x32: {  	s10 =	simm.s32 $0x0;
	s20 =	simm.s32 $0x0;
	s26 =	simm.s32 $0x100  }
0x33: {  	[tilespmem:s31], [sflag:$0x1] =	stream.indirect.gather [hbm4b:s9+s21], $0x40, s30, s21, $0xb8;
	[tilespmem:$0x1B680] =	vst v63  }
.LBB2_2:
0x34: {  	s0 =	smulhi.u32 $0x51EB851F, s26  }
0x35: {  	s13 =	sshll.u32 s10, $0x9  }
0x36: {  	s6 =	sadd.s32 s13, s11;
	s0 =	sshrl.u32 s0, $0x6  }
0x37: {  	s12 =	sadd.s32 $0x100, s6;
	s0 =	smul.u32 $0xC8, s0  }
0x38: {  	s6 =	sshrl.u32 s12, $0x3  }
0x39: {  	s5 =	sadd.s32 s1, s6;
	s0 =	ssub.s32 s20, s0  }
0x3a: {  	[tilespmem:s28], [sflag:$0x5] =	stream.linear.gather [hbm4b:s5+s7], $0x100, $0x38;
	[tilespmem:$0x1B680] =	vst v63  }
0x3b: {  	[dreg:$0x7] =	wrdreg s0  }
0x3c: {  	_ =	swait.ge [sflag:s17], $0x100  }
0x3d: {  	[sflag:s17] =	ssyncset.done $0x0  }
0x3e: {  	s14 =	sadd.s32 s22, s6;
	[sflag:s17] =	ssyncadd.s32 $0xFFFFFF00  }
0x3f: {  	[tilespmem:s29], [sflag:$0x5] =	stream.linear.gather [hbm4b:s14+s7], $0x100, $0x38;
	[tilespmem:$0x1B680] =	vst v63  }
0x40: {  	_ =	swait.ge [sflag:s17], $0x100  }
0x41: {  	[sflag:s17] =	ssyncset.done $0x0  }
0x42: {  	s18 =	simm.s32 $0x4400;
	[sflag:s17] =	ssyncadd.s32 $0xFFFFFF00  }
0x43: {  	[tilespmem:s18], [sflag:$0x2] =	stream.indirect.gather [hbm4b:s8+s21], $0x40, s28, s21, $0xb8;
	[tilespmem:$0x1B680] =	vst v63  }
0x44: {  	s23 =	simm.s32 $0xC400  }
0x45: {  	[tilespmem:s23], [sflag:$0x2] =	stream.indirect.gather [hbm4b:s9+s21], $0x40, s29, s21, $0xb8;
	[tilespmem:$0x1B680] =	vst v63  }
0x46: {  	s24 =	simm.s32 $0x180;
	s2 =	simm.s32 $0x6400  }
0x47: {  	[tilespmem:s2], [sflag:$0x2] =	stream.indirect.gather [hbm4b:s8+s21], $0x40, s24, s21, $0xb8;
	[tilespmem:$0x1B680] =	vst v63  }
0x48: {  	s25 =	simm.s32 $0x380;
	s30 =	simm.s32 $0xE400  }
0x49: {  	[tilespmem:s30], [sflag:$0x2] =	stream.indirect.gather [hbm4b:s9+s21], $0x40, s25, s21, $0xb8;
	[tilespmem:$0x1B680] =	vst v63  }
0x4a: {  	_ =	swait.ge [sflag:s16], $0x2000  }
0x4b: {  	[sflag:s16] =	ssyncset.done $0x0  }
0x4c: {  	[sflag:s16] =	ssyncadd.s32 $0xFFFFE000  }
0x4d: {  	_ =	swait.ge [sflag:s16], $0x2000  }
0x4e: {  	[sflag:s16] =	ssyncset.done $0x0  }
0x4f: {  	s31 =	sand.u32 $0xFFF8, s13;
	[sflag:s16] =	ssyncadd.s32 $0xFFFFE000  }
0x50: {  	s0 =	sshrl.u32 s31, $0x3;
	_ =	swait.ge [sflag:s16], $0x2000  }
0x51: {  	s0 =	smul.u32 $0x147B, s0;
	[sflag:s16] =	ssyncset.done $0x0  }
0x52: {  	[sflag:s16] =	ssyncadd.s32 $0xFFFFE000  }
0x53: {  	s0 =	sshrl.u32 s0, $0x11;
	_ =	swait.ge [sflag:s16], $0x2000  }
0x54: {  	p0 =	seq.s32 s10, $0x0;
	s0 =	smul.u32 $0xC8, s0;
	[sflag:s16] =	ssyncset.done $0x0  }
0x55: {  	s6 =	simm.s32 @!p0 $0x3;
	[sflag:s16] =	ssyncadd.s32 $0xFFFFE000  }
0x56: {  	s14 =	simm.s32 $0x8480;
	s0 =	ssub.s32 s13, s0;
	_ =	swait.ge @!p0 [sflag:s6], $0x4000  }
0x57: {  	s23 =	simm.s32 $0x10480;
	s24 =	simm.s32 $0x480;
	[sflag:s6] =	ssyncset.done @!p0 $0x0  }
0x58: {  	s25 =	simm.s32 $0x0;
	[dreg:$0x8] =	wrdreg s0;
	[sflag:s6] =	ssyncadd.s32 @!p0 $0xFFFFC000  }
.LBB2_3:
0x59: {  	v8 =	vld [tilespmem:s24+$0xFFFFFF80]  }
0x5a: {  	v9 =	vld [tilespmem:s14+$0xFFFFFF80]  }
0x5b: {  	v11 =	vld [tilespmem:s24+$0xFFFFFF90]  }
0x5c: {  	v12 =	vld [tilespmem:s14+$0xFFFFFF90]  }
0x5d: {  	v14 =	vld [tilespmem:s24+$0xFFFFFFA0]  }
0x5e: {  	v15 =	vld [tilespmem:s14+$0xFFFFFFA0]  }
0x5f: {  	v17 =	vld [tilespmem:s24+$0xFFFFFFB0]  }
0x60: {  	v18 =	vld [tilespmem:s14+$0xFFFFFFB0]  }
0x61: {  	v20 =	vld [tilespmem:s24+$0xFFFFFFC0]  }
0x62: {  	v21 =	vld [tilespmem:s14+$0xFFFFFFC0]  }
0x63: {  	v23 =	vld [tilespmem:s24+$0xFFFFFFD0]  }
0x64: {  	s0 =	rddreg [dreg:$0x8];
	v24 =	vld [tilespmem:s14+$0xFFFFFFD0]  }
0x65: {  	v26 =	vld [tilespmem:s24+$0xFFFFFFE0];
	s0 =	sadd.s32 s25, s0  }
0x66: {  	v27 =	vld [tilespmem:s14+$0xFFFFFFE0];
	s6 =	sand.u32 $0xFFF8, s0  }
0x67: {  	v40 =	vld [tilespmem:s24+$0xFFFFFFF0];
	s6 =	sshrl.u32 s6, $0x3  }
0x68: {  	v42 =	vld [tilespmem:s14+$0xFFFFFFF0];
	s6 =	smul.u32 $0x147B, s6  }
0x69: {  	v44 =	vld [tilespmem:s24+$0x0]  }
0x6a: {  	v45 =	vld [tilespmem:s14+$0x0];
	s30 =	sadd.s32 $0x1, s0;
	s6 =	sshrl.u32 s6, $0x11  }
0x6b: {  	v33 =	vld [tilespmem:s24+$0x10];
	s31 =	sand.u32 $0xFFF8, s30;
	s6 =	smul.u32 $0xC8, s6  }
0x6c: {  	v35 =	vld [tilespmem:s14+$0x10];
	s31 =	sshrl.u32 s31, $0x3  }
0x6d: {  	v50 =	vld [tilespmem:s24+$0x20];
	s31 =	smul.u32 $0x147B, s31;
	s6 =	ssub.s32 s0, s6  }
0x6e: {  	v52 =	vld [tilespmem:s14+$0x20];
	s6 =	sand.u32 $0xFFFF, s6  }
0x6f: {  	v54 =	vld [tilespmem:s24+$0x30];
	s31 =	sshrl.u32 s31, $0x11;
	s6 =	sshll.u32 s6, $0x6  }
0x70: {  	s3 =	sadd.s32 $0x2, s0;
	s31 =	smul.u32 $0xC8, s31;
	v10 =	vld [tilespmem:s6+$0x18400]  }
0x71: {  	s4 =	sand.u32 $0xFFF8, s3;
	v13 =	vld [tilespmem:s6+$0x18410]  }
0x72: {  	v8 =	vadd.f32 v9, v8;
	v11 =	vadd.f32 v12, v11;
	s2 =	ssub.s32 s30, s31;
	s31 =	sshrl.u32 s4, $0x3;
	v16 =	vld [tilespmem:s6+$0x18420]  }
0x73: {  	v14 =	vadd.f32 v15, v14;
	v41 =	vadd.f32 v18, v17;
	s31 =	smul.u32 $0x147B, s31;
	v19 =	vld [tilespmem:s6+$0x18430]  }
0x74: {  	v56 =	vld [tilespmem:s14+$0x30];
	v48 =	vadd.f32 v21, v20;
	v49 =	vadd.f32 v24, v23;
	s6 =	sand.u32 $0xFFFF, s2  }
0x75: {  	v63 =	vld [tilespmem:s24+$0x40];
	v51 =	vadd.f32 v27, v26;
	v17 =	vadd.f32 v42, v40;
	s6 =	sshll.u32 s6, $0x6;
	s31 =	sshrl.u32 s31, $0x11  }
0x76: {  	v42 =	vadd.f32 v35, v33;
	v20 =	vadd.f32 v52, v50;
	v25 =	vld [tilespmem:s6+$0x18410];
	s31 =	smul.u32 $0xC8, s31  }
0x77: {  	s0 =	sadd.s32 $0x3, s0;
	v28 =	vld [tilespmem:s6+$0x18420];
	v9 =	vadd.f32 v10, v8;
	v8 =	vadd.f32 v13, v11  }
0x78: {  	s18 =	sand.u32 $0xFFF8, s0;
	v22 =	vld [tilespmem:s6+$0x18400];
	s5 =	ssub.s32 s3, s31;
	v11 =	vadd.f32 v16, v14;
	v10 =	vadd.f32 v19, v41  }
0x79: {  	v24 =	vadd.f32 v56, v54;
	s30 =	sshrl.u32 s18, $0x3;
	v43 =	vld [tilespmem:s6+$0x18430];
	s6 =	sand.u32 $0xFFFF, s5;
	v13 =	vadd.f32 v8, v9  }
0x7a: {  	v36 =	vld [tilespmem:s14+$0x40];
	s30 =	smul.u32 $0x147B, s30;
	s6 =	sshll.u32 s6, $0x6;
	v14 =	vadd.f32 v10, v11;
	v46 =	vmul.f32 v9, v9;
	v29 =	vmul.f32 v8, v8  }
0x7b: {  	v30 =	vld [tilespmem:s6+$0x18400];
	v31 =	vmul.f32 v11, v11;
	v32 =	vmul.f32 v10, v10;
	v12 =	vadd.f32 v25, v49  }
0x7c: {  	s30 =	sshrl.u32 s30, $0x11;
	v53 =	vld [tilespmem:s6+$0x18420];
	v15 =	vadd.f32 v28, v51;
	v34 =	vadd.f32 v14, v13  }
0x7d: {  	s30 =	smul.u32 $0xC8, s30;
	v60 =	vld [tilespmem:s6+$0x18430];
	v29 =	vadd.f32 v29, v46;
	v31 =	vadd.f32 v32, v31  }
0x7e: {  	v47 =	vld [tilespmem:s6+$0x18410];
	v13 =	vadd.f32 v22, v48;
	v14 =	vadd.f32 v43, v17  }
0x7f: {  	s0 =	ssub.s32 s0, s30;
	v16 =	vadd.f32 v45, v44;
	v44 =	vld [tilespmem:s14+$0x50];
	v59 =	vmul.f32 v12, v12;
	v55 =	vadd.f32 v31, v29  }
0x80: {  	s0 =	sand.u32 $0xFFFF, s0;
	v49 =	vld [tilespmem:s14+$0x60];
	v61 =	vmul.f32 v15, v15;
	v22 =	vadd.f32 v12, v13;
	v57 =	vadd.f32 v14, v15;
	(xrf2) =	vadd.scan.msk.f32 $0xffff, v34  }
0x81: {  	s0 =	sshll.u32 s0, $0x6;
	v51 =	vld [tilespmem:s24+$0x70];
	v58 =	vmul.f32 v13, v13;
	v21 =	vadd.f32 v30, v16;
	v17 =	vadd.f32 v53, v20;
	(xrf2) =	vadd.scan.msk.f32 $0xffff, v55  }
0x82: {  	v45 =	vld [tilespmem:s0+$0x18410];
	v62 =	vmul.f32 v14, v14;
	v18 =	vadd.f32 v60, v24;
	v25 =	vadd.f32 v57, v22  }
0x83: {  	v43 =	vld [tilespmem:s24+$0x50];
	v26 =	vadd.f32 v59, v58;
	v22 =	vadd.f32 v47, v42  }
0x84: {  	v46 =	vld [tilespmem:s24+$0x60];
	v40 =	vadd.f32 v62, v61;
	v47 =	vmul.f32 v21, v21;
	v50 =	vmul.f32 v17, v17  }
0x85: {  	v53 =	vld [tilespmem:s14+$0x70];
	v28 =	vmul.f32 v18, v18;
	v52 =	vadd.f32 v18, v17;
	v48 =	vmul.f32 v22, v22  }
0x86: {  	v56 =	vld [tilespmem:s0+$0x18420];
	v26 =	vadd.f32 v40, v26;
	v32 =	vadd.f32 v22, v21  }
0x87: {  	v59 =	vld [tilespmem:s0+$0x18430];
	(xrf2) =	vadd.scan.msk.f32 $0xffff, v25;
	v55 =	vadd.f32 v28, v50;
	v23 =	vadd.f32 v48, v47  }
0x88: {  	v41 =	vld [tilespmem:s0+$0x18400];
	(xrf2) =	vadd.scan.msk.f32 $0xffff, v26;
	v58 =	vadd.f32 v52, v32  }
0x89: {  	v19 =	vadd.f32 v44, v43;
	v23 =	vadd.f32 v55, v23  }
0x8a: {  	v20 =	vadd.f32 v49, v46;
	v61 =	vadd.f32 v53, v51;
	v54, _, _ =	vpop (xrf2);
	(xrf2) =	vadd.scan.msk.f32 $0xffff, v58  }
0x8b: {  	v60 =	vadd.f32 v36, v63;
	v19 =	vadd.f32 v45, v19;
	v57, _, _ =	vpop (xrf2);
	(xrf2) =	vadd.scan.msk.f32 $0xffff, v23  }
0x8c: {  	v20 =	vadd.f32 v56, v20;
	v16 =	vadd.f32 v59, v61  }
0x8d: {  	(v2sf) =	vpush v54, $0xF;
	v23 =	vadd.f32 v41, v60  }
0x8e: {  	v33 =	vmul.f32 v19, v19;
	v34 =	vmul.f32 v20, v20;
	(v2sf) =	vpush v57, $0xF  }
0x8f: {  	v35 =	vmul.f32 v16, v16;
	v63 =	vmul.f32 v23, v23  }
0x90: {  	v37 =	vadd.f32 v16, v20;
	v36 =	vadd.f32 v19, v23  }
0x91: {  	v24 =	vadd.f32 v35, v34;
	v62, _, _ =	vpop (xrf2);
	v25 =	vadd.f32 v33, v63  }
0x92: {  	(v2sf) =	vpush v62, $0xF;
	v38, _, _ =	vpop (xrf2);
	v39 =	vadd.f32 v37, v36  }
0x93: {  	(v2sf) =	vpush v38, $0xF;
	v24 =	vadd.f32 v24, v25  }
0x94: {  	v40, _, _ =	vpop (xrf2);
	(xrf2) =	vadd.scan.msk.f32 $0xffff, v39  }
0x95: {  	v41, _, _ =	vpop (xrf2);
	(xrf2) =	vadd.scan.msk.f32 $0xffff, v24;
	_ =	sdelay $0x1  }
0x96: {  	(v2sf) =	vpush v40, $0xF  }
0x97: {  	(v2sf) =	vpush v41, $0xF;
	_ =	sdelay $0x3  }
0x98: {  	s31 =	spop (v2sf)  }
0x99: {  	s6 =	smul.f32 $1.562500000e-02, s31;
	s2 =	spop (v2sf)  }
0x9a: {  	s0 =	smul.f32 $1.562500000e-02, s2;
	v42, _, _ =	vpop (xrf2)  }
0x9b: {  	s3 =	smul.f32 s6, s6;
	(v2sf) =	vpush v42, $0xF;
	v43, _, _ =	vpop (xrf2)  }
0x9c: {  	(v2sf) =	vpush v43, $0xF  }
0x9d: {  	s4 =	spop (v2sf);
	s0 =	ssub.f32 s0, s3  }
0x9e: {  	s31 =	smul.f32 $1.562500000e-02, s4;
	s3 =	spop (v2sf)  }
0x9f: {  	s3 =	smul.f32 $1.562500000e-02, s3  }
0xa0: {  	s0 =	sadd.f32 $9.999999960e-13, s0;
	s4 =	smul.f32 s31, s31  }
0xa1: {  	_ = 	snop  }
0xa2: {  	v44 =	vmov s0;
	s3 =	ssub.f32 s3, s4;
	s5 =	spop (v2sf)  }
0xa3: {  	v45 =	vshra.s32 v44, $0x1;
	v24 =	vmul.f32 $5.000000000e-01, v44;
	s0 =	smul.f32 $1.562500000e-02, s5;
	s18 =	spop (v2sf)  }
0xa4: {  	v25 =	vsub.s32 $0x5F3759DF, v45;
	s3 =	sadd.f32 $9.999999960e-13, s3;
	s2 =	smul.f32 $1.562500000e-02, s18  }
0xa5: {  	v46 =	vmul.f32 v25, v24;
	s5 =	smul.f32 s0, s0  }
0xa6: {  	v47 =	vmov s3  }
0xa7: {  	v26 =	vmul.f32 v25, v46;
	v48 =	vshra.s32 v47, $0x1;
	v27 =	vmul.f32 $5.000000000e-01, v47;
	s4 =	ssub.f32 s2, s5  }
0xa8: {  	v28 =	vsub.s32 $0x5F3759DF, v48  }
0xa9: {  	v26 =	vsub.f32 $1.500000000e+00, v26;
	v49 =	vmul.f32 v28, v27;
	s18 =	sadd.f32 $9.999999960e-13, s4  }
0xaa: {  	s30 =	spop (v2sf)  }
0xab: {  	v25 =	vmul.f32 v25, v26;
	v26 =	vmul.f32 v28, v49;
	v50 =	vmov s18;
	s2 =	smul.f32 $1.562500000e-02, s30;
	s5 =	spop (v2sf)  }
0xac: {  	v51 =	vshra.s32 v50, $0x1;
	v29 =	vmul.f32 $5.000000000e-01, v50;
	s3 =	smul.f32 $1.562500000e-02, s5  }
0xad: {  	v52 =	vmul.f32 v25, v24;
	v26 =	vsub.f32 $1.500000000e+00, v26;
	v30 =	vsub.s32 $0x5F3759DF, v51;
	s18 =	smul.f32 s2, s2  }
0xae: {  	v53 =	vmul.f32 v30, v29  }
0xaf: {  	v62 =	vmov s6;
	v31 =	vmul.f32 v52, v25;
	v26 =	vmul.f32 v28, v26;
	s3 =	ssub.f32 s3, s18  }
0xb0: {  	v9 =	vsub.f32 v9, v62;
	v8 =	vsub.f32 v8, v62;
	v32 =	vmul.f32 v30, v53  }
0xb1: {  	v11 =	vsub.f32 v11, v62;
	v31 =	vsub.f32 $1.500000000e+00, v31;
	v55 =	vmul.f32 v26, v27;
	s3 =	sadd.f32 $9.999999960e-13, s3  }
0xb2: {  	v10 =	vsub.f32 v10, v62;
	v34 =	vmov s31;
	v54 =	vsub.f32 $1.500000000e+00, v32  }
0xb3: {  	v25 =	vmul.f32 v31, v25;
	v31 =	vmul.f32 v55, v26;
	v56 =	vmov s3  }
0xb4: {  	v28 =	vmul.f32 v30, v54;
	v58 =	vshra.s32 v56, $0x1;
	v30 =	vmul.f32 $5.000000000e-01, v56  }
0xb5: {  	v24 =	vmul.f32 v25, v24;
	v31 =	vsub.f32 $1.500000000e+00, v31;
	v33 =	vsub.s32 $0x5F3759DF, v58  }
0xb6: {  	v13 =	vsub.f32 v13, v34;
	v57 =	vmul.f32 v28, v29;
	v59 =	vmul.f32 v33, v30  }
0xb7: {  	v12 =	vsub.f32 v12, v34;
	v24 =	vmul.f32 v24, v25;
	v26 =	vmul.f32 v31, v26  }
0xb8: {  	v15 =	vsub.f32 v15, v34;
	v32 =	vmul.f32 v57, v28;
	v61 =	vmul.f32 v33, v59  }
0xb9: {  	v14 =	vsub.f32 v14, v34;
	v24 =	vsub.f32 $1.500000000e+00, v24;
	v27 =	vmul.f32 v26, v27  }
0xba: {  	v38 =	vmov s0;
	v60 =	vsub.f32 $1.500000000e+00, v32;
	v63 =	vsub.f32 $1.500000000e+00, v61  }
0xbb: {  	v21 =	vsub.f32 v21, v38;
	v24 =	vmul.f32 v24, v25;
	v27 =	vmul.f32 v27, v26  }
0xbc: {  	v22 =	vsub.f32 v22, v38;
	v28 =	vmul.f32 v60, v28;
	v33 =	vmul.f32 v33, v63  }
0xbd: {  	v17 =	vsub.f32 v17, v38;
	v9 =	vmul.f32 v24, v9;
	v8 =	vmul.f32 v24, v8  }
0xbe: {  	v11 =	vmul.f32 v24, v11;
	v27 =	vsub.f32 $1.500000000e+00, v27;
	v35 =	vmul.f32 v33, v30  }
0xbf: {  	v18 =	vsub.f32 v18, v38;
	v10 =	vmul.f32 v24, v10;
	v29 =	vmul.f32 v28, v29  }
0xc0: {  	v46 =	vmov s2;
	v26 =	vmul.f32 v27, v26;
	v36 =	vmul.f32 v35, v33  }
0xc1: {  	v48 =	vsub.f32 v23, v46;
	v9 =	vmul.f32 v9, v0;
	v8 =	vmul.f32 v8, v1  }
0xc2: {  	v11 =	vmul.f32 v11, v2;
	v10 =	vmul.f32 v10, v3;
	v24 =	vsub.f32 $1.500000000e+00, v36  }
0xc3: {  	v50 =	vsub.f32 v19, v46;
	v29 =	vmul.f32 v29, v28;
	v13 =	vmul.f32 v26, v13  }
0xc4: {  	v51 =	vsub.f32 v20, v46;
	v12 =	vmul.f32 v26, v12;
	v24 =	vmul.f32 v24, v33  }
0xc5: {  	v52 =	vsub.f32 v16, v46;
	v15 =	vmul.f32 v26, v15;
	v14 =	vmul.f32 v26, v14  }
0xc6: {  	v9 =	vadd.f32 v9, v4;
	v37 =	vsub.f32 $1.500000000e+00, v29;
	v25 =	vmul.f32 v24, v30  }
0xc7: {  	v8 =	vadd.f32 v8, v5;
	v13 =	vmul.f32 v13, v0;
	v40 =	vmul.f32 v12, v1  }
0xc8: {  	v39 =	vadd.f32 v11, v6;
	[tilespmem:s23+$0xFFFFFF80] =	vst v9;
	v27 =	vmul.f32 v37, v28;
	v25 =	vmul.f32 v25, v24  }
0xc9: {  	[tilespmem:s23+$0xFFFFFF90] =	vst v8;
	v8 =	vadd.f32 v10, v7;
	v43 =	vmul.f32 v15, v2;
	v47 =	vmul.f32 v14, v3  }
0xca: {  	[tilespmem:s23+$0xFFFFFFA0] =	vst v39;
	v42 =	vadd.f32 v13, v4;
	v21 =	vmul.f32 v27, v21;
	v41 =	vsub.f32 $1.500000000e+00, v25  }
0xcb: {  	v44 =	vadd.f32 v40, v5;
	[tilespmem:s23+$0xFFFFFFB0] =	vst v8;
	v22 =	vmul.f32 v27, v22;
	v17 =	vmul.f32 v27, v17  }
0xcc: {  	v8 =	vadd.f32 v43, v6;
	[tilespmem:s23+$0xFFFFFFC0] =	vst v42;
	v49 =	vmul.f32 v21, v0;
	v45 =	vmul.f32 v41, v24  }
0xcd: {  	v53 =	vadd.f32 v47, v7;
	v18 =	vmul.f32 v27, v18;
	[tilespmem:s23+$0xFFFFFFD0] =	vst v44;
	v54 =	vmul.f32 v22, v1  }
0xce: {  	[tilespmem:s23+$0xFFFFFFE0] =	vst v8;
	v55 =	vmul.f32 v17, v2;
	v8 =	vadd.f32 v49, v4;
	v14 =	vmul.f32 v45, v48  }
0xcf: {  	[tilespmem:s23+$0xFFFFFFF0] =	vst v53;
	v57 =	vmul.f32 v18, v3;
	v56 =	vadd.f32 v54, v5;
	v15 =	vmul.f32 v45, v50  }
0xd0: {  	[tilespmem:s23+$0x0] =	vst v8;
	v8 =	vadd.f32 v55, v6;
	v9 =	vmul.f32 v45, v52;
	v58 =	vmul.f32 v14, v0  }
0xd1: {  	v60 =	vadd.f32 v57, v7;
	[tilespmem:s23+$0x10] =	vst v56;
	v59 =	vmul.f32 v45, v51;
	v61 =	vmul.f32 v15, v1  }
0xd2: {  	p1 =	slt.u32 s25, $0xFC;
	[tilespmem:s23+$0x20] =	vst v8;
	v9 =	vmul.f32 v9, v3;
	v8 =	vadd.f32 v58, v4  }
.Ltmp0:
0xd3: {  	[tilespmem:s23+$0x30] =	vst v60;
	v62 =	vmul.f32 v59, v2;
	v63 =	vadd.f32 v61, v5;
	(pc) =	sbr.rel @p1 .LBB2_3-.Ltmp0, $4  }
0xd4: {  	v9 =	vadd.f32 v9, v7;
	[tilespmem:s23+$0x40] =	vst v8  }
0xd5: {  	v8 =	vadd.f32 v62, v6;
	[tilespmem:s23+$0x50] =	vst v63  }
0xd6: {  	s24 =	sadd.s32 $0x100, s24;
	s31 =	sadd.s32 $0x4, s25;
	[tilespmem:s23+$0x70] =	vst v9  }
0xd7: {  	s14 =	sadd.s32 $0x100, s14;
	s25 =	smov.u32 s31;
	[tilespmem:s23+$0x60] =	vst v8;
	s23 =	sadd.s32 $0x100, s23  }
0xd8: {  	s0 =	sadd.s32 s11, s13  }
0xd9: {  	s2 =	rddreg [dreg:$0x5];
	s0 =	sshll.u32 s0, $0x3  }
0xda: {  	s14 =	simm.s32 $0x10400;
	p1 =	seq.s32 s10, $0x31;
	s0 =	sadd.s32 s2, s0  }
0xdb: {  	[hbm4b:s0+s7] =	stream.linear.scatter [tilespmem:s14], [sflag:$0x3], $0x4000, $0x38;
	[tilespmem:$0x1B680] =	vst v63  }
0xdc: {  	s0 =	sshll.u32 @!p1 s10, $0x6  }
0xdd: {  	s0 =	sadd.s32 @!p1 s15, s0  }
0xde: {  	s4 =	simm.s32 @!p1 $0x0;
	s3 =	sadd.s32 @!p1 s1, s0  }
0xdf: {  	[tilespmem:s4], [sflag:$0x5] =	stream.linear.gather @!p1 [hbm4b:s3+s4], $0x100, $0x38;
	[tilespmem:$0x1B680] =	vst v63  }
0xe0: {  	s3 =	simm.s32 @!p1 $0x5  }
0xe1: {  	_ =	swait.ge @!p1 [sflag:s3], $0x100  }
0xe2: {  	[sflag:s3] =	ssyncset.done @!p1 $0x0  }
0xe3: {  	s6 =	simm.s32 @!p1 $0x200;
	s0 =	sadd.s32 @!p1 s22, s0;
	[sflag:s3] =	ssyncadd.s32 @!p1 $0xFFFFFF00  }
0xe4: {  	[tilespmem:s6], [sflag:$0x5] =	stream.linear.gather @!p1 [hbm4b:s0+s4], $0x100, $0x38;
	[tilespmem:$0x1B680] =	vst v63  }
0xe5: {  	_ =	swait.ge @!p1 [sflag:s3], $0x100  }
0xe6: {  	[sflag:s3] =	ssyncset.done @!p1 $0x0  }
0xe7: {  	s0 =	simm.s32 @!p1 $0x80;
	[sflag:s3] =	ssyncadd.s32 @!p1 $0xFFFFFF00;
	s3 =	simm.s32 @!p1 $0x400  }
0xe8: {  	[tilespmem:s3], [sflag:$0x1] =	stream.indirect.gather @!p1 [hbm4b:s8+s0], $0x40, s4, s0, $0xb8;
	[tilespmem:$0x1B680] =	vst v63  }
0xe9: {  	s3 =	simm.s32 @!p1 $0x8400  }
0xea: {  	[tilespmem:s3], [sflag:$0x1] =	stream.indirect.gather @!p1 [hbm4b:s9+s0], $0x40, s6, s0, $0xb8;
	[tilespmem:$0x1B680] =	vst v63  }
0xeb: {  	s3 =	simm.s32 @!p1 $0x2400  }
0xec: {  	[tilespmem:s3], [sflag:$0x1] =	stream.indirect.gather @!p1 [hbm4b:s8+s0], $0x40, s0, s0, $0xb8;
	[tilespmem:$0x1B680] =	vst v63  }
0xed: {  	s4 =	simm.s32 @!p1 $0xA400;
	s3 =	simm.s32 @!p1 $0x280  }
0xee: {  	[tilespmem:s4], [sflag:$0x1] =	stream.indirect.gather @!p1 [hbm4b:s9+s0], $0x40, s3, s0, $0xb8;
	[tilespmem:$0x1B680] =	vst v63  }
0xef: {  	_ =	swait.ge [sflag:s19], $0x2000  }
0xf0: {  	[sflag:s19] =	ssyncset.done $0x0  }
0xf1: {  	[sflag:s19] =	ssyncadd.s32 $0xFFFFE000  }
0xf2: {  	_ =	swait.ge [sflag:s19], $0x2000  }
0xf3: {  	[sflag:s19] =	ssyncset.done $0x0  }
0xf4: {  	[sflag:s19] =	ssyncadd.s32 $0xFFFFE000  }
0xf5: {  	_ =	swait.ge [sflag:s19], $0x2000  }
0xf6: {  	[sflag:s19] =	ssyncset.done $0x0  }
0xf7: {  	[sflag:s19] =	ssyncadd.s32 $0xFFFFE000  }
0xf8: {  	_ =	swait.ge [sflag:s19], $0x2000  }
0xf9: {  	[sflag:s19] =	ssyncset.done $0x0  }
0xfa: {  	s0 =	simm.s32 @!p0 $0x4;
	[sflag:s19] =	ssyncadd.s32 $0xFFFFE000  }
0xfb: {  	_ =	swait.ge @!p0 [sflag:s0], $0x4000  }
0xfc: {  	[sflag:s0] =	ssyncset.done @!p0 $0x0  }
0xfd: {  	s23 =	simm.s32 $0x4480;
	s18 =	rddreg [dreg:$0x7];
	[sflag:s0] =	ssyncadd.s32 @!p0 $0xFFFFC000  }
0xfe: {  	s24 =	simm.s32 $0xC480;
	s14 =	sadd.s32 $0xFFFFFFFC, s18;
	v8 =	vld [tilespmem:s23+$0x40]  }
0xff: {  	s3 =	sadd.s32 $0x107, s14;
	v9 =	vld [tilespmem:s24+$0x40]  }
0x100: {  	s5 =	smov.u32 s22;
	v10 =	vld [tilespmem:s23+$0x50];
	s22 =	sand.u32 $0xFFF8, s3  }
0x101: {  	v11 =	vld [tilespmem:s24+$0x50];
	s4 =	sshrl.u32 s22, $0x3  }
0x102: {  	v12 =	vld [tilespmem:s23+$0x60];
	s4 =	smul.u32 $0x147B, s4  }
0x103: {  	v13 =	vld [tilespmem:s24+$0x60]  }
0x104: {  	v14 =	vld [tilespmem:s23+$0x70];
	s4 =	sshrl.u32 s4, $0x11  }
0x105: {  	v15 =	vld [tilespmem:s24+$0x70];
	s4 =	smul.u32 $0xC8, s4  }
0x106: {  	v20 =	vld [tilespmem:s23+$0xFFFFFF80]  }
0x107: {  	v21 =	vld [tilespmem:s24+$0xFFFFFF80];
	s3 =	ssub.s32 s3, s4  }
0x108: {  	v23 =	vld [tilespmem:s23+$0xFFFFFFB0];
	s3 =	sand.u32 $0xFFFF, s3  }
0x109: {  	v25 =	vld [tilespmem:s24+$0xFFFFFFB0];
	s3 =	sshll.u32 s3, $0x6  }
0x10a: {  	v16 =	vld [tilespmem:s3+$0x18400]  }
0x10b: {  	v17 =	vld [tilespmem:s3+$0x18410]  }
0x10c: {  	v18 =	vld [tilespmem:s3+$0x18420]  }
0x10d: {  	v19 =	vld [tilespmem:s3+$0x18430]  }
0x10e: {  	v26 =	vld [tilespmem:s23+$0xFFFFFFF0]  }
0x10f: {  	v27 =	vld [tilespmem:s24+$0xFFFFFFF0];
	v8 =	vadd.f32 v9, v8;
	v9 =	vadd.f32 v11, v10  }
0x110: {  	v28 =	vld [tilespmem:s23+$0x0];
	v11 =	vadd.f32 v13, v12;
	v12 =	vadd.f32 v15, v14  }
0x111: {  	s25 =	sadd.s32 $0x104, s14;
	v29 =	vld [tilespmem:s24+$0x0];
	v10 =	vadd.f32 v16, v8;
	v8 =	vadd.f32 v17, v9  }
0x112: {  	v30 =	vld [tilespmem:s23+$0x10];
	s30 =	sand.u32 $0xFFF8, s25;
	v9 =	vadd.f32 v18, v11;
	v11 =	vadd.f32 v19, v12  }
0x113: {  	v31 =	vld [tilespmem:s24+$0x10];
	s4 =	sshrl.u32 s30, $0x3;
	v15 =	vmul.f32 v10, v10;
	v16 =	vmul.f32 v8, v8  }
0x114: {  	v32 =	vld [tilespmem:s23+$0x20];
	s4 =	smul.u32 $0x147B, s4;
	v18 =	vmul.f32 v9, v9;
	v19 =	vmul.f32 v11, v11  }
0x115: {  	v34 =	vld [tilespmem:s24+$0x20];
	v22 =	vadd.f32 v8, v10;
	v24 =	vadd.f32 v11, v9  }
0x116: {  	v35 =	vld [tilespmem:s23+$0x30];
	s4 =	sshrl.u32 s4, $0x11;
	v15 =	vadd.f32 v16, v15;
	v16 =	vadd.f32 v19, v18  }
0x117: {  	v59 =	vld [tilespmem:s24+$0x30];
	s4 =	smul.u32 $0xC8, s4;
	v19 =	vadd.f32 v24, v22  }
0x118: {  	v13 =	vld [tilespmem:s23+$0xFFFFFF90];
	v15 =	vadd.f32 v16, v15  }
0x119: {  	v14 =	vld [tilespmem:s24+$0xFFFFFF90];
	s3 =	ssub.s32 s25, s4;
	(xrf2) =	vadd.scan.msk.f32 $0xffff, v19  }
0x11a: {  	s3 =	sand.u32 $0xFFFF, s3;
	v12 =	vld [tilespmem:s23+$0xFFFFFFA0];
	(xrf2) =	vadd.scan.msk.f32 $0xffff, v15  }
0x11b: {  	s31 =	sadd.s32 $0x105, s14;
	s14 =	sadd.s32 $0x106, s14;
	v17 =	vld [tilespmem:s24+$0xFFFFFFA0];
	s3 =	sshll.u32 s3, $0x6  }
0x11c: {  	s2 =	smov.u32 s1;
	s1 =	sand.u32 $0xFFF8, s14;
	v36 =	vld [tilespmem:s3+$0x18400]  }
0x11d: {  	s18 =	sand.u32 $0xFFF8, s31;
	s4 =	sshrl.u32 s1, $0x3;
	v37 =	vld [tilespmem:s3+$0x18410]  }
0x11e: {  	s18 =	sshrl.u32 s18, $0x3;
	s22 =	smul.u32 $0x147B, s4;
	v38 =	vld [tilespmem:s3+$0x18420]  }
0x11f: {  	s18 =	smul.u32 $0x147B, s18;
	v13 =	vadd.f32 v14, v13;
	v14 =	vld [tilespmem:s3+$0x18430]  }
0x120: {  	s0 =	sshrl.u32 s22, $0x11;
	v18 =	vld [tilespmem:s23+$0xFFFFFFC0]  }
0x121: {  	s18 =	sshrl.u32 s18, $0x11;
	s0 =	smul.u32 $0xC8, s0;
	v22 =	vld [tilespmem:s24+$0xFFFFFFC0]  }
0x122: {  	s18 =	smul.u32 $0xC8, s18;
	v24 =	vld [tilespmem:s24+$0xFFFFFFE0]  }
0x123: {  	s0 =	ssub.s32 s14, s0;
	v16 =	vld [tilespmem:s23+$0xFFFFFFD0];
	v33, _, _ =	vpop (xrf2)  }
0x124: {  	v20 =	vadd.f32 v21, v20;
	s0 =	sand.u32 $0xFFFF, s0;
	v15 =	vld [tilespmem:s23+$0xFFFFFFE0];
	s23 =	ssub.s32 s31, s18;
	(v2sf) =	vpush v33, $0xF;
	v58, _, _ =	vpop (xrf2)  }
0x125: {  	v21 =	vadd.f32 v25, v23;
	v19 =	vld [tilespmem:s24+$0xFFFFFFD0];
	s0 =	sshll.u32 s0, $0x6;
	s4 =	sand.u32 $0xFFFF, s23;
	(v2sf) =	vpush v58, $0xF  }
0x126: {  	v26 =	vadd.f32 v27, v26;
	v28 =	vadd.f32 v29, v28;
	v61 =	vld [tilespmem:s0+$0x18410];
	s4 =	sshll.u32 s4, $0x6  }
0x127: {  	v29 =	vadd.f32 v31, v30;
	v31 =	vadd.f32 v34, v32;
	v23 =	vld [tilespmem:s4+$0x18400]  }
0x128: {  	v60 =	vadd.f32 v59, v35;
	v12 =	vadd.f32 v17, v12;
	v39 =	vld [tilespmem:s4+$0x18410]  }
0x129: {  	v22 =	vadd.f32 v22, v18;
	v18 =	vadd.f32 v37, v13;
	v27 =	vld [tilespmem:s4+$0x18420]  }
0x12a: {  	v25 =	vadd.f32 v19, v16;
	v30 =	vld [tilespmem:s4+$0x18430];
	v19 =	vadd.f32 v36, v20  }
0x12b: {  	v17 =	vadd.f32 v38, v12;
	v20 =	vld [tilespmem:s0+$0x18400];
	v16 =	vadd.f32 v14, v21  }
0x12c: {  	v21 =	vld [tilespmem:s0+$0x18420];
	v13 =	vmul.f32 v18, v18;
	v24 =	vadd.f32 v24, v15;
	v12 =	vmul.f32 v19, v19  }
0x12d: {  	v62 =	vadd.f32 v18, v19;
	v63 =	vadd.f32 v16, v17  }
0x12e: {  	v40 =	vadd.f32 v13, v12;
	v15 =	vadd.f32 v23, v22;
	v22 =	vld [tilespmem:s0+$0x18430]  }
0x12f: {  	v14 =	vadd.f32 v39, v25;
	v13 =	vadd.f32 v27, v24  }
0x130: {  	v12 =	vadd.f32 v30, v26;
	v27 =	vadd.f32 v20, v28  }
0x131: {  	v24 =	vmul.f32 v17, v17;
	v23 =	vadd.f32 v61, v29;
	v25 =	vadd.f32 v21, v31  }
0x132: {  	v30 =	vmul.f32 v16, v16;
	v28 =	vadd.f32 v63, v62;
	v26 =	vadd.f32 v14, v15  }
0x133: {  	v20 =	vmul.f32 v15, v15;
	v29 =	vadd.f32 v12, v13;
	v22 =	vadd.f32 v22, v60;
	s24 =	spop (v2sf)  }
0x134: {  	v21 =	vmul.f32 v14, v14;
	v31 =	vmul.f32 v13, v13;
	v41 =	vadd.f32 v23, v27;
	s0 =	smul.f32 $1.562500000e-02, s24;
	s25 =	spop (v2sf)  }
0x135: {  	v43 =	vmul.f32 v12, v12;
	v26 =	vadd.f32 v29, v26;
	v42 =	vadd.f32 v22, v25;
	s3 =	smul.f32 $1.562500000e-02, s25  }
0x136: {  	v24 =	vadd.f32 v30, v24;
	(xrf2) =	vadd.scan.msk.f32 $0xffff, v28;
	v28 =	vmul.f32 v23, v23;
	v20 =	vadd.f32 v21, v20;
	s30 =	smul.f32 s0, s0  }
0x137: {  	v29 =	vmul.f32 v27, v27;
	(xrf2) =	vadd.scan.msk.f32 $0xffff, v26;
	v26 =	vadd.f32 v43, v31;
	v30 =	vadd.f32 v42, v41  }
0x138: {  	v21 =	vadd.f32 v24, v40;
	v31 =	vmul.f32 v25, v25;
	v44 =	vmul.f32 v22, v22;
	s3 =	ssub.f32 s3, s30  }
0x139: {  	v20 =	vadd.f32 v26, v20;
	(xrf2) =	vadd.scan.msk.f32 $0xffff, v30  }
0x13a: {  	v26 =	vadd.f32 v28, v29;
	v28 =	vadd.f32 v44, v31;
	(xrf2) =	vadd.scan.msk.f32 $0xffff, v21;
	s3 =	sadd.f32 $9.999999960e-13, s3  }
0x13b: {  	(xrf2) =	vadd.scan.msk.f32 $0xffff, v20  }
0x13c: {  	v20 =	vadd.f32 v28, v26;
	v24 =	vmov s3  }
0x13d: {  	v30 =	vshra.s32 v24, $0x1;
	v24 =	vmul.f32 $5.000000000e-01, v24  }
0x13e: {  	v30 =	vsub.s32 $0x5F3759DF, v30  }
0x13f: {  	(xrf2) =	vadd.scan.msk.f32 $0xffff, v20;
	v21 =	vmul.f32 v30, v24  }
0x140: {  	s13 =	simm.s32 $0x4580;
	s31 =	rddreg [dreg:$0x7];
	v20, _, _ =	vpop (xrf2)  }
0x141: {  	v52 =	vld [tilespmem:s13+$0xFFFFFF80];
	s14 =	simm.s32 $0xC580;
	s23 =	sadd.s32 $0x0, s31;
	v26, _, _ =	vpop (xrf2);
	(v2sf) =	vpush v20, $0xF;
	v21 =	vmul.f32 v30, v21  }
0x142: {  	v45 =	vld [tilespmem:s14+$0x60];
	(v2sf) =	vpush v26, $0xF;
	s3 =	sadd.s32 $0x107, s23  }
0x143: {  	v46 =	vld [tilespmem:s14+$0x70];
	v20, _, _ =	vpop (xrf2);
	s1 =	sand.u32 $0xFFF8, s3;
	v21 =	vsub.f32 $1.500000000e+00, v21  }
0x144: {  	v28 =	vld [tilespmem:s14+$0x40];
	(v2sf) =	vpush v20, $0xF;
	v20, _, _ =	vpop (xrf2);
	s4 =	sshrl.u32 s1, $0x3  }
0x145: {  	(v2sf) =	vpush v20, $0xF;
	v20 =	vld [tilespmem:s13+$0x40];
	v29, _, _ =	vpop (xrf2);
	s4 =	smul.u32 $0x147B, s4;
	v21 =	vmul.f32 v30, v21  }
0x146: {  	(v2sf) =	vpush v29, $0xF;
	v29 =	vld [tilespmem:s14+$0x50]  }
0x147: {  	s4 =	sshrl.u32 s4, $0x11;
	v30 =	vld [tilespmem:s13+$0x50];
	v26 =	vmul.f32 v21, v24  }
0x148: {  	v59 =	vld [tilespmem:s14+$0xFFFFFFC0];
	s4 =	smul.u32 $0xC8, s4  }
0x149: {  	v41 =	vld [tilespmem:s14+$0xFFFFFF80];
	v50 =	vmov s0;
	v31, _, _ =	vpop (xrf2);
	v26 =	vmul.f32 v26, v21  }
0x14a: {  	v40 =	vsub.f32 v8, v50;
	(v2sf) =	vpush v31, $0xF;
	v31 =	vld [tilespmem:s13+$0x70];
	s3 =	ssub.s32 s3, s4  }
0x14b: {  	v8 =	vadd.f32 v28, v20;
	v20 =	vld [tilespmem:s13+$0xFFFFFF90];
	s3 =	sand.u32 $0xFFFF, s3;
	v26 =	vsub.f32 $1.500000000e+00, v26  }
0x14c: {  	v37 =	vsub.f32 v9, v50;
	s3 =	sshll.u32 s3, $0x6;
	v9 =	vadd.f32 v29, v30;
	v29 =	vld [tilespmem:s14+$0xFFFFFF90]  }
0x14d: {  	v47 =	vld [tilespmem:s3+$0x18400];
	v21 =	vmul.f32 v26, v21  }
0x14e: {  	v48 =	vld [tilespmem:s3+$0x18410]  }
0x14f: {  	v49 =	vld [tilespmem:s3+$0x18420];
	v24 =	vmul.f32 v21, v24  }
0x150: {  	s6 =	spop (v2sf);
	v26 =	vld [tilespmem:s13+$0x60]  }
0x151: {  	s18 =	spop (v2sf);
	s0 =	smul.f32 $1.562500000e-02, s6;
	v20 =	vadd.f32 v29, v20;
	v29 =	vld [tilespmem:s13+$0xFFFFFFC0];
	v24 =	vmul.f32 v24, v21  }
0x152: {  	v51 =	vld [tilespmem:s3+$0x18430];
	s3 =	smul.f32 $1.562500000e-02, s18  }
0x153: {  	v28 =	vadd.f32 v46, v31;
	v31 =	vmov s0;
	s0 =	smul.f32 s0, s0;
	s22 =	spop (v2sf);
	v24 =	vsub.f32 $1.500000000e+00, v24  }
0x154: {  	v43 =	vadd.f32 v41, v52;
	v36 =	vsub.f32 v19, v31;
	s4 =	smul.f32 $1.562500000e-02, s22;
	v44 =	vmov s3  }
0x155: {  	s24 =	spop (v2sf);
	s25 =	smul.f32 s3, s3;
	v21 =	vmul.f32 v24, v21;
	v24 =	vsub.f32 v10, v50;
	v10 =	vsub.f32 v11, v50  }
0x156: {  	v53 =	vld [tilespmem:s13+$0xFFFFFFA0];
	s6 =	smul.f32 $1.562500000e-02, s24;
	s24 =	spop (v2sf);
	v35 =	vmov s4;
	v26 =	vadd.f32 v45, v26;
	v29 =	vadd.f32 v59, v29  }
0x157: {  	v57 =	vld [tilespmem:s14+$0xFFFFFFB0];
	s24 =	smul.f32 $1.562500000e-02, s24;
	v11 =	vmul.f32 v21, v10;
	v10 =	vadd.f32 v47, v8;
	v8 =	vadd.f32 v48, v9  }
0x158: {  	v63 =	vld [tilespmem:s14+$0xFFFFFFE0];
	s30 =	smul.f32 s4, s4;
	s0 =	ssub.f32 s6, s0;
	v9 =	vadd.f32 v49, v26;
	v24 =	vmul.f32 v21, v24;
	v45 =	vmul.f32 v21, v40  }
0x159: {  	s1 =	spop (v2sf);
	s31 =	ssub.f32 s24, s25;
	v26 =	vld [tilespmem:s14+$0xFFFFFFA0];
	v21 =	vmul.f32 v21, v37;
	v30 =	vmul.f32 v11, v3;
	v11 =	vadd.f32 v51, v28  }
0x15a: {  	v19 =	vld [tilespmem:s14+$0xFFFFFFD0];
	s22 =	smul.f32 $1.562500000e-02, s1;
	s0 =	sadd.f32 $9.999999960e-13, s0;
	v37 =	vsub.f32 v18, v31;
	v55 =	vmul.f32 v10, v10;
	v56 =	vmul.f32 v8, v8  }
0x15b: {  	s25 =	sadd.s32 $0x104, s23;
	s3 =	sadd.f32 $9.999999960e-13, s31;
	v59 =	vld [tilespmem:s13+$0x0];
	v28 =	vadd.f32 v8, v10;
	v58 =	vmul.f32 v9, v9;
	v42 =	vmul.f32 v11, v11  }
0x15c: {  	s24 =	ssub.f32 s22, s30;
	s30 =	sand.u32 $0xFFF8, s25;
	v61 =	vmov s0;
	v18 =	vld [tilespmem:s13+$0xFFFFFFE0];
	v34 =	vadd.f32 v30, v7;
	v54 =	vadd.f32 v11, v9  }
0x15d: {  	s4 =	sshrl.u32 s30, $0x3;
	v62 =	vmov s3;
	v30 =	vld [tilespmem:s13+$0xFFFFFFB0];
	v38 =	vadd.f32 v56, v55;
	v41 =	vadd.f32 v42, v58  }
0x15e: {  	s0 =	sadd.f32 $9.999999960e-13, s24;
	s31 =	smul.u32 $0x147B, s4;
	v56 =	vshra.s32 v62, $0x1;
	v46 =	vadd.f32 v26, v53;
	v26 =	vld [tilespmem:s13+$0xFFFFFFD0];
	v28 =	vadd.f32 v54, v28  }
0x15f: {  	s1 =	sadd.s32 $0x105, s23;
	v47 =	vmul.f32 $5.000000000e-01, v61;
	v48 =	vld [tilespmem:s13+$0xFFFFFFF0];
	v32 =	vsub.s32 $0x5F3759DF, v56;
	v60 =	vadd.f32 v41, v38  }
0x160: {  	s18 =	sand.u32 $0xFFF8, s1;
	v49 =	vld [tilespmem:s14+$0xFFFFFFF0];
	v58 =	vmov s0;
	s0 =	sshrl.u32 s31, $0x11;
	(xrf2) =	vadd.scan.msk.f32 $0xffff, v28;
	v28 =	vshra.s32 v61, $0x1;
	v38 =	vmul.f32 $5.000000000e-01, v62  }
0x161: {  	s6 =	sshrl.u32 s18, $0x3;
	v51 =	vld [tilespmem:s14+$0x0];
	v54 =	vadd.f32 v63, v18;
	v50 =	vshra.s32 v58, $0x1;
	s0 =	smul.u32 $0xC8, s0;
	v28 =	vsub.s32 $0x5F3759DF, v28;
	(xrf2) =	vadd.scan.msk.f32 $0xffff, v60  }
0x162: {  	s6 =	smul.u32 $0x147B, s6;
	v18 =	vld [tilespmem:s13+$0x10];
	v30 =	vadd.f32 v57, v30;
	v57 =	vmul.f32 v28, v47;
	v40 =	vmul.f32 v32, v38  }
0x163: {  	v42 =	vmul.f32 $5.000000000e-01, v58;
	v50 =	vsub.s32 $0x5F3759DF, v50;
	s0 =	ssub.s32 s25, s0;
	v53 =	vadd.f32 v19, v26;
	v26 =	vld [tilespmem:s14+$0x10]  }
0x164: {  	s6 =	sshrl.u32 s6, $0x11;
	v41 =	vsub.f32 v16, v31;
	v16 =	vld [tilespmem:s14+$0x20];
	s0 =	sand.u32 $0xFFFF, s0;
	v52 =	vmul.f32 v28, v57;
	v40 =	vmul.f32 v32, v40  }
0x165: {  	v33 =	vsub.f32 v12, v44;
	s22 =	sadd.s32 $0x106, s23;
	s6 =	smul.u32 $0xC8, s6;
	v48 =	vadd.f32 v49, v48;
	v62 =	vld [tilespmem:s14+$0x30];
	v19 =	vmul.f32 v50, v42;
	s0 =	sshll.u32 s0, $0x6  }
0x166: {  	s23 =	sand.u32 $0xFFF8, s22;
	v39 =	vmul.f32 v24, v0;
	v56 =	vld [tilespmem:s0+$0x18400];
	v24 =	vsub.f32 $1.500000000e+00, v52;
	v60 =	vsub.f32 $1.500000000e+00, v40  }
0x167: {  	s3 =	sshrl.u32 s23, $0x3;
	s4 =	ssub.s32 s1, s6;
	v51 =	vadd.f32 v51, v59;
	v19 =	vmul.f32 v50, v19;
	v40 =	vsub.f32 v17, v31;
	v17 =	vld [tilespmem:s13+$0x20]  }
0x168: {  	s3 =	smul.u32 $0x147B, s3;
	s4 =	sand.u32 $0xFFFF, s4;
	v57 =	vadd.f32 v26, v18;
	v18 =	vld [tilespmem:s0+$0x18410];
	v61 =	vmul.f32 v28, v24;
	v52 =	vmul.f32 v32, v60  }
0x169: {  	s4 =	sshll.u32 s4, $0x6;
	v19 =	vsub.f32 $1.500000000e+00, v19;
	v26 =	vmul.f32 v21, v2;
	v28 =	vsub.f32 v15, v44;
	v15 =	vld [tilespmem:s13+$0x30]  }
0x16a: {  	s3 =	sshrl.u32 s3, $0x11;
	v12 =	vld [tilespmem:s4+$0x18410];
	v32 =	vsub.f32 v13, v44;
	v31, _, _ =	vpop (xrf2);
	v63 =	vmul.f32 v61, v47;
	v55 =	vmul.f32 v52, v38  }
0x16b: {  	s3 =	smul.u32 $0xC8, s3;
	v58 =	vld [tilespmem:s4+$0x18400];
	v50 =	vmul.f32 v50, v19;
	v21 =	vadd.f32 v56, v43;
	(v2sf) =	vpush v31, $0xF;
	v31, _, _ =	vpop (xrf2)  }
0x16c: {  	v19 =	vmul.f32 v63, v61;
	v60 =	vmul.f32 v55, v52;
	(v2sf) =	vpush v31, $0xF  }
0x16d: {  	s24 =	ssub.s32 s22, s3;
	v13 =	vld [tilespmem:s0+$0x18430];
	v55 =	vadd.f32 v16, v17;
	v16 =	vmul.f32 v50, v42;
	v20 =	vadd.f32 v18, v20  }
0x16e: {  	v24 =	vmul.f32 v45, v1;
	v31 =	vsub.f32 v14, v44;
	v14 =	vld [tilespmem:s0+$0x18420];
	v45 =	vadd.f32 v62, v15;
	s0 =	sand.u32 $0xFFFF, s24  }
0x16f: {  	v49 =	vld [tilespmem:s4+$0x18420];
	v17 =	vsub.f32 $1.500000000e+00, v19;
	v19 =	vsub.f32 $1.500000000e+00, v60;
	v15 =	vmul.f32 v16, v50;
	s0 =	sshll.u32 s0, $0x6  }
0x170: {  	v18 =	vadd.f32 v58, v29;
	v16 =	vadd.f32 v12, v53;
	v29 =	vld [tilespmem:s0+$0x18410]  }
0x171: {  	v53 =	vld [tilespmem:s0+$0x18420];
	v43 =	vmul.f32 v17, v61;
	v44 =	vmul.f32 v19, v52;
	v15 =	vsub.f32 $1.500000000e+00, v15  }
0x172: {  	v17 =	vadd.f32 v13, v30;
	v13 =	vadd.f32 v20, v21;
	v30 =	vmul.f32 v20, v20;
	v52 =	vld [tilespmem:s0+$0x18400]  }
0x173: {  	v19 =	vadd.f32 v14, v46;
	v14 =	vmul.f32 v21, v21;
	v46 =	vld [tilespmem:s4+$0x18430];
	v47 =	vmul.f32 v43, v47  }
0x174: {  	v50 =	vmul.f32 v15, v50;
	v59 =	vmul.f32 v17, v17;
	v15 =	vadd.f32 v49, v54  }
0x175: {  	v38 =	vmul.f32 v44, v38;
	v58 =	vadd.f32 v17, v19;
	v60 =	vadd.f32 v30, v14  }
0x176: {  	v56 =	vmul.f32 v19, v19;
	v12 =	vadd.f32 v29, v57;
	v29 =	vadd.f32 v53, v55  }
0x177: {  	v42 =	vmul.f32 v50, v42;
	v47 =	vmul.f32 v47, v43;
	v54 =	vadd.f32 v58, v13  }
0x178: {  	v30 =	vld [tilespmem:s0+$0x18430];
	v38 =	vmul.f32 v38, v44;
	v13 =	vadd.f32 v52, v51;
	v14 =	vadd.f32 v46, v48  }
0x179: {  	v56 =	vadd.f32 v59, v56;
	v58 =	vmul.f32 v42, v50;
	v42 =	vsub.f32 v27, v35  }
0x17a: {  	v49 =	vmul.f32 v18, v18;
	v46 =	vadd.f32 v16, v18;
	v62 =	vadd.f32 v14, v15;
	s25 =	spop (v2sf)  }
0x17b: {  	v61 =	vmul.f32 v15, v15;
	v47 =	vsub.f32 $1.500000000e+00, v47;
	v59 =	vsub.f32 $1.500000000e+00, v38;
	s25 =	smul.f32 $1.562500000e-02, s25;
	s30 =	spop (v2sf)  }
0x17c: {  	v48 =	vmul.f32 v16, v16;
	v53 =	vmul.f32 v13, v13;
	(xrf2) =	vadd.scan.msk.f32 $0xffff, v54;
	v46 =	vadd.f32 v62, v46;
	s0 =	smul.f32 $1.562500000e-02, s30  }
0x17d: {  	v54 =	vmul.f32 v12, v12;
	v63 =	vmul.f32 v14, v14;
	v30 =	vadd.f32 v30, v45;
	s31 =	smul.f32 s25, s25  }
0x17e: {  	v45 =	vadd.f32 v12, v13;
	v48 =	vadd.f32 v48, v49;
	v49 =	vmul.f32 v29, v29;
	(xrf2) =	vadd.scan.msk.f32 $0xffff, v46  }
0x17f: {  	v61 =	vadd.f32 v63, v61;
	v62 =	vadd.f32 v30, v29;
	v63 =	vmul.f32 v30, v30;
	s0 =	ssub.f32 s0, s31  }
0x180: {  	v56 =	vadd.f32 v56, v60;
	v53 =	vadd.f32 v54, v53  }
0x181: {  	v45 =	vadd.f32 v62, v45;
	v49 =	vadd.f32 v63, v49;
	s0 =	sadd.f32 $9.999999960e-13, s0  }
0x182: {  	v57 =	vadd.f32 v61, v48;
	v62 =	vmul.f32 v47, v43;
	v48 =	vmul.f32 v59, v44  }
0x183: {  	v47 =	vsub.f32 v25, v35;
	v46 =	vsub.f32 v22, v35;
	v27 =	vmov s0  }
0x184: {  	s23 =	simm.s32 $0x14480;
	v25 =	vadd.f32 v39, v4;
	v60 =	vshra.s32 v27, $0x1;
	v38 =	vmul.f32 $5.000000000e-01, v27  }
0x185: {  	[tilespmem:s23+$0x70] =	vst v34;
	v44 =	vmul.f32 v62, v36;
	v27 =	vsub.f32 $1.500000000e+00, v58;
	v51 =	vsub.s32 $0x5F3759DF, v60  }
0x186: {  	v49 =	vadd.f32 v49, v53;
	v34 =	vmul.f32 v62, v40;
	v61, _, _ =	vpop (xrf2);
	(xrf2) =	vadd.scan.msk.f32 $0xffff, v45;
	v63 =	vmul.f32 v51, v38  }
0x187: {  	v45 =	vmul.f32 v62, v37;
	(v2sf) =	vpush v61, $0xF;
	(xrf2) =	vadd.scan.msk.f32 $0xffff, v56;
	v43 =	vmul.f32 v27, v50  }
0x188: {  	s24 =	simm.s32 $0x4;
	(xrf2) =	vadd.scan.msk.f32 $0xffff, v57;
	v50 =	vsub.f32 v23, v35;
	v35 =	vmul.f32 v62, v41;
	v22, _, _ =	vpop (xrf2);
	v23 =	vmul.f32 v51, v63  }
.LBB2_5:
0x189: {  	s0 =	rddreg [dreg:$0x7];
	v24 =	vadd.f32 v24, v5  }
0x18a: {  	(v2sf) =	vpush v22, $0xF;
	v22 =	vmovc v30;
	v36 =	vadd.f32 v26, v6;
	v28 =	vmul.f32 v48, v28;
	[tilespmem:s23+$0x40] =	vst v25;
	s3 =	sadd.s32 s24, s0  }
0x18b: {  	s13 =	sadd.s32 $0x100, s13;
	v27 =	vsub.f32 $1.500000000e+00, v23;
	v23 =	vmovc v29;
	v29 =	vmul.f32 v48, v31;
	v30 =	vmul.f32 v48, v32;
	[tilespmem:s23+$0x50] =	vst v24;
	s4 =	sadd.s32 $0x107, s3  }
0x18c: {  	s14 =	sadd.s32 $0x100, s14;
	v60 =	vmul.f32 v48, v33;
	s0 =	sadd.s32 $0x104, s3;
	[tilespmem:s23+$0x60] =	vst v36;
	s1 =	sand.u32 $0xFFF8, s4;
	v28 =	vmul.f32 v28, v0  }
0x18d: {  	s31 =	sadd.s32 $0x105, s3;
	s30 =	sadd.s32 $0x106, s3;
	v27 =	vmul.f32 v51, v27;
	v39 =	vld [tilespmem:s13+$0x40];
	v29 =	vmul.f32 v29, v1;
	s3 =	sshrl.u32 s1, $0x3  }
0x18e: {  	(xrf2) =	vadd.scan.msk.f32 $0xffff, v49;
	v26 =	vmul.f32 v43, v42;
	v40 =	vld [tilespmem:s14+$0x40];
	v30 =	vmul.f32 v30, v2;
	s3 =	smul.u32 $0x147B, s3;
	v28 =	vadd.f32 v28, v4  }
0x18f: {  	v63 =	vld [tilespmem:s13+$0x50];
	v32 =	vmul.f32 v60, v3;
	v24 =	vmul.f32 v27, v38;
	v29 =	vadd.f32 v29, v5  }
0x190: {  	v62 =	vmul.f32 v44, v0;
	v48 =	vld [tilespmem:s14+$0x50];
	v26 =	vmul.f32 v26, v0;
	v30 =	vadd.f32 v30, v6;
	s3 =	sshrl.u32 s3, $0x11;
	[tilespmem:s23+$0xFFFFFFC0] =	vst v28  }
0x191: {  	v61 =	vmul.f32 v43, v50;
	v50 =	vld [tilespmem:s14+$0x60];
	v32 =	vadd.f32 v32, v7;
	v24 =	vmul.f32 v24, v27;
	[tilespmem:s23+$0xFFFFFFD0] =	vst v29;
	s3 =	smul.u32 $0xC8, s3  }
0x192: {  	v34 =	vmul.f32 v34, v2;
	v36 =	vadd.f32 v62, v4;
	v52 =	vld [tilespmem:s13+$0x70];
	v56 =	vadd.f32 v26, v4;
	v31, _, _ =	vpop (xrf2);
	[tilespmem:s23+$0xFFFFFFE0] =	vst v30  }
0x193: {  	v35 =	vmul.f32 v35, v3;
	v54 =	vld [tilespmem:s14+$0x70];
	[tilespmem:s23+$0xFFFFFFF0] =	vst v32;
	(v2sf) =	vpush v31, $0xF;
	v25, _, _ =	vpop (xrf2);
	v24 =	vsub.f32 $1.500000000e+00, v24;
	s3 =	ssub.s32 s4, s3  }
0x194: {  	v34 =	vadd.f32 v34, v6;
	[tilespmem:s23+$0x0] =	vst v56;
	v56 =	vld [tilespmem:s14+$0xFFFFFFC0];
	(v2sf) =	vpush v25, $0xF;
	v25 =	vmul.f32 v45, v1;
	v41, _, _ =	vpop (xrf2);
	s3 =	sand.u32 $0xFFFF, s3  }
0x195: {  	s18 =	sand.u32 $0xFFF8, s31;
	v53 =	vadd.f32 v35, v7;
	[tilespmem:s23+$0xFFFFFF80] =	vst v36;
	(v2sf) =	vpush v41, $0xF;
	v24 =	vmul.f32 v24, v27;
	v27 =	vld [tilespmem:s13+$0x60];
	s3 =	sshll.u32 s3, $0x6  }
0x196: {  	s6 =	sand.u32 $0xFFF8, s0;
	v33 =	vmul.f32 v61, v1;
	s18 =	sshrl.u32 s18, $0x3;
	[tilespmem:s23+$0xFFFFFFA0] =	vst v34;
	v25 =	vadd.f32 v25, v5;
	v55 =	vld [tilespmem:s3+$0x18400]  }
0x197: {  	v59 =	vmov s25;
	s22 =	sand.u32 $0xFFF8, s30;
	s6 =	sshrl.u32 s6, $0x3;
	s18 =	smul.u32 $0x147B, s18;
	[tilespmem:s23+$0xFFFFFFB0] =	vst v53;
	v31 =	vmul.f32 v43, v47;
	v57 =	vld [tilespmem:s3+$0x18410]  }
0x198: {  	v37 =	vmul.f32 v43, v46;
	s22 =	sshrl.u32 s22, $0x3;
	s6 =	smul.u32 $0x147B, s6;
	v28 =	vadd.f32 v33, v5;
	v49, _, _ =	vpop (xrf2);
	v51 =	vmul.f32 v24, v38;
	[tilespmem:s23+$0xFFFFFF90] =	vst v25;
	v58 =	vld [tilespmem:s3+$0x18420]  }
0x199: {  	v10 =	vsub.f32 v10, v59;
	s22 =	smul.u32 $0x147B, s22;
	s18 =	sshrl.u32 s18, $0x11;
	v31 =	vmul.f32 v31, v2;
	s1 =	spop (v2sf);
	(v2sf) =	vpush v49, $0xF;
	v62 =	vld [tilespmem:s13+$0xFFFFFF90]  }
0x19a: {  	v11 =	vsub.f32 v11, v59;
	v60 =	vsub.f32 v8, v59;
	s6 =	sshrl.u32 s6, $0x11;
	s18 =	smul.u32 $0xC8, s18;
	[tilespmem:s23+$0x10] =	vst v28;
	v28 =	vld [tilespmem:s14+$0xFFFFFF90];
	v38 =	vmul.f32 v51, v24  }
0x19b: {  	v8 =	vadd.f32 v40, v39;
	s4 =	smul.u32 $0xC8, s6;
	v29 =	vadd.f32 v31, v6;
	v25 =	vmul.f32 v37, v3;
	v31 =	vld [tilespmem:s3+$0x18430]  }
0x19c: {  	v35 =	vadd.f32 v54, v52;
	s6 =	sshrl.u32 s22, $0x11;
	v30 =	vld [tilespmem:s13+$0xFFFFFF80];
	s22 =	spop (v2sf);
	s1 =	smul.f32 $1.562500000e-02, s1;
	v26 =	vsub.f32 $1.500000000e+00, v38  }
0x19d: {  	v61 =	vld [tilespmem:s14+$0xFFFFFF80];
	v25 =	vadd.f32 v25, v7;
	s22 =	smul.f32 $1.562500000e-02, s22;
	v27 =	vadd.f32 v50, v27  }
0x19e: {  	s0 =	ssub.s32 s0, s4;
	v38 =	vsub.f32 v9, v59;
	v9 =	vadd.f32 v48, v63;
	v48 =	vld [tilespmem:s13+$0xFFFFFFA0];
	v24 =	vmul.f32 v26, v24  }
0x19f: {  	s18 =	ssub.s32 s31, s18;
	s4 =	smul.u32 $0xC8, s6;
	s0 =	sand.u32 $0xFFFF, s0;
	[tilespmem:s23+$0x20] =	vst v29;
	v29 =	vmov s22;
	v26 =	vmov s1;
	v44 =	vadd.f32 v28, v62;
	v28 =	vld [tilespmem:s13+$0xFFFFFFC0]  }
0x1a0: {  	s25 =	sand.u32 $0xFFFF, s18;
	s31 =	sshll.u32 s0, $0x6;
	v34 =	vsub.f32 v21, v26;
	v21 =	vld [tilespmem:s14+$0xFFFFFFD0];
	v63 =	vmul.f32 v24, v10;
	v10 =	vadd.f32 v55, v8  }
0x1a1: {  	s4 =	ssub.s32 s30, s4;
	s30 =	sshll.u32 s25, $0x6;
	s0 =	smul.f32 s22, s22;
	v11 =	vmul.f32 v24, v11;
	v8 =	vadd.f32 v57, v9;
	v9 =	vadd.f32 v58, v27;
	v27 =	vld [tilespmem:s14+$0xFFFFFFA0]  }
0x1a2: {  	s6 =	sand.u32 $0xFFFF, s4;
	s1 =	smul.f32 s1, s1;
	v30 =	vadd.f32 v61, v30;
	v33 =	vmul.f32 v24, v60;
	v41 =	vmul.f32 v24, v38;
	v24 =	vld [tilespmem:s13+$0xFFFFFFD0];
	s18 =	spop (v2sf)  }
0x1a3: {  	v53 =	vld [tilespmem:s14+$0xFFFFFFB0];
	s25 =	sshll.u32 s6, $0x6;
	v37 =	vsub.f32 v17, v26;
	v47 =	vmul.f32 v11, v3;
	v11 =	vadd.f32 v31, v35;
	s3 =	smul.f32 $1.562500000e-02, s18;
	s6 =	spop (v2sf)  }
0x1a4: {  	v50 =	vld [tilespmem:s13+$0xFFFFFFB0];
	v31 =	vadd.f32 v8, v10;
	v51 =	vmul.f32 v10, v10;
	v52 =	vmul.f32 v8, v8;
	s4 =	smul.f32 $1.562500000e-02, s6;
	s18 =	spop (v2sf)  }
0x1a5: {  	v62 =	vld [tilespmem:s14+$0xFFFFFFE0];
	v54 =	vmul.f32 v9, v9;
	v45 =	vadd.f32 v56, v28;
	v35 =	vadd.f32 v11, v9;
	s22 =	smul.f32 $1.562500000e-02, s18  }
0x1a6: {  	[tilespmem:s23+$0x30] =	vst v25;
	v28 =	vld [tilespmem:s13+$0xFFFFFFF0];
	v55 =	vmul.f32 v11, v11;
	v57 =	vadd.f32 v52, v51;
	v25 =	vmov s3;
	s1 =	ssub.f32 s4, s1  }
0x1a7: {  	s3 =	smul.f32 s3, s3;
	v42 =	vadd.f32 v27, v48;
	v27 =	vmul.f32 v63, v0;
	v63 =	vld [tilespmem:s14+$0xFFFFFFF0];
	v48 =	vadd.f32 v21, v24;
	s0 =	ssub.f32 s22, s0  }
0x1a8: {  	v21 =	vld [tilespmem:s13+$0x0];
	v31 =	vadd.f32 v35, v31;
	v58 =	vadd.f32 v55, v54;
	s6 =	spop (v2sf);
	s1 =	sadd.f32 $9.999999960e-13, s1  }
0x1a9: {  	v40 =	vadd.f32 v53, v50;
	v35 =	vsub.f32 v20, v26;
	v20 =	vld [tilespmem:s13+$0xFFFFFFE0];
	s4 =	smul.f32 $1.562500000e-02, s6;
	s0 =	sadd.f32 $9.999999960e-13, s0  }
0x1aa: {  	v49 =	vadd.f32 v47, v7;
	(xrf2) =	vadd.scan.msk.f32 $0xffff, v31;
	v31 =	vadd.f32 v58, v57;
	v58 =	vld [tilespmem:s14+$0x0];
	v59 =	vmov s1  }
0x1ab: {  	s18 =	ssub.f32 s4, s3;
	v60 =	vshra.s32 v59, $0x1;
	v61 =	vmov s0;
	v46 =	vmul.f32 $5.000000000e-01, v59  }
0x1ac: {  	(xrf2) =	vadd.scan.msk.f32 $0xffff, v31;
	v31 =	vshra.s32 v61, $0x1;
	v38 =	vmul.f32 $5.000000000e-01, v61;
	v32 =	vsub.s32 $0x5F3759DF, v60  }
0x1ad: {  	v52 =	vld [tilespmem:s14+$0x10];
	v53 =	vadd.f32 v63, v28;
	s22 =	sadd.f32 $9.999999960e-13, s18;
	v31 =	vsub.s32 $0x5F3759DF, v31;
	v36 =	vmul.f32 v32, v46  }
0x1ae: {  	s23 =	sadd.s32 $0x100, s23;
	v28 =	vsub.f32 v18, v29;
	v18 =	vld [tilespmem:s13+$0x30];
	v43 =	vadd.f32 v62, v20;
	v56 =	vmul.f32 v31, v38  }
0x1af: {  	[tilespmem:s23+$0x70] =	vst v49;
	v20 =	vld [tilespmem:s13+$0x10];
	v49 =	vadd.f32 v58, v21;
	v57 =	vmov s22;
	v59 =	vmul.f32 v32, v36  }
0x1b0: {  	v21 =	vld [tilespmem:s14+$0x30];
	v24 =	vshra.s32 v57, $0x1;
	v39 =	vmul.f32 $5.000000000e-01, v57;
	v47 =	vmul.f32 v31, v56  }
0x1b1: {  	v36 =	vsub.f32 v19, v26;
	v60 =	vsub.s32 $0x5F3759DF, v24;
	v50 =	vsub.f32 $1.500000000e+00, v59  }
0x1b2: {  	v63 =	vld [tilespmem:s31+$0x18400];
	v26 =	vmul.f32 v41, v2;
	v19 =	vmul.f32 v60, v39;
	v47 =	vsub.f32 $1.500000000e+00, v47  }
0x1b3: {  	v61 =	vld [tilespmem:s13+$0x20];
	v24 =	vmul.f32 v33, v1;
	v50 =	vmul.f32 v32, v50  }
0x1b4: {  	v52 =	vadd.f32 v52, v20;
	v17 =	vmul.f32 v60, v19;
	v19 =	vld [tilespmem:s14+$0x20];
	v47 =	vmul.f32 v31, v47  }
0x1b5: {  	v56 =	vld [tilespmem:s31+$0x18430];
	v33 =	vsub.f32 v14, v29;
	v54, _, _ =	vpop (xrf2);
	v57 =	vadd.f32 v21, v18;
	v32 =	vmul.f32 v50, v46  }
0x1b6: {  	(v2sf) =	vpush v54, $0xF;
	v54 =	vld [tilespmem:s25+$0x18400];
	v31, _, _ =	vpop (xrf2);
	v17 =	vsub.f32 $1.500000000e+00, v17;
	v62 =	vmul.f32 v47, v38  }
0x1b7: {  	(v2sf) =	vpush v31, $0xF;
	v31 =	vsub.f32 v16, v29;
	v16 =	vld [tilespmem:s31+$0x18420];
	v20 =	vmul.f32 v32, v50  }
0x1b8: {  	v21 =	vadd.f32 v63, v30;
	v51 =	vmul.f32 v60, v17;
	v17 =	vld [tilespmem:s31+$0x18410];
	v41 =	vmul.f32 v62, v47  }
0x1b9: {  	v60 =	vld [tilespmem:s30+$0x18400];
	v55 =	vadd.f32 v19, v61;
	v19 =	vsub.f32 $1.500000000e+00, v20  }
0x1ba: {  	v32 =	vsub.f32 v15, v29;
	v61 =	vld [tilespmem:s30+$0x18430];
	v15 =	vmul.f32 v51, v39;
	v20 =	vsub.f32 $1.500000000e+00, v41  }
0x1bb: {  	v30 =	vmul.f32 v21, v21;
	v54 =	vadd.f32 v54, v49;
	v41 =	vld [tilespmem:s25+$0x18410];
	v50 =	vmul.f32 v19, v50  }
0x1bc: {  	v19 =	vadd.f32 v16, v42;
	v14 =	vmul.f32 v15, v51;
	v15 =	vld [tilespmem:s30+$0x18410];
	v47 =	vmul.f32 v20, v47  }
0x1bd: {  	v29 =	vld [tilespmem:s30+$0x18420];
	v20 =	vadd.f32 v17, v44;
	v44 =	vmul.f32 v50, v46;
	v17 =	vadd.f32 v56, v40  }
0x1be: {  	v56 =	vmul.f32 v19, v19;
	v18 =	vadd.f32 v60, v45;
	v14 =	vsub.f32 $1.500000000e+00, v14  }
0x1bf: {  	v60 =	vld [tilespmem:s25+$0x18420];
	v38 =	vmul.f32 v47, v38;
	v40 =	vadd.f32 v20, v21;
	v62 =	vmul.f32 v20, v20  }
0x1c0: {  	v63 =	vadd.f32 v17, v19;
	v58 =	vmul.f32 v17, v17;
	v41 =	vadd.f32 v41, v52  }
0x1c1: {  	v45 =	vmul.f32 v14, v51;
	v14 =	vadd.f32 v61, v53;
	v16 =	vadd.f32 v15, v48  }
0x1c2: {  	v46 =	vadd.f32 v62, v30;
	v15 =	vadd.f32 v29, v43;
	v43 =	vmul.f32 v18, v18  }
0x1c3: {  	v40 =	vadd.f32 v63, v40;
	v52 =	vadd.f32 v58, v56;
	v48 =	vmul.f32 v54, v54  }
0x1c4: {  	v30 =	vld [tilespmem:s25+$0x18430];
	v59 =	vmul.f32 v14, v14;
	v29 =	vadd.f32 v60, v55;
	v60 =	vmul.f32 v41, v41  }
0x1c5: {  	s25 =	spop (v2sf);
	v42 =	vadd.f32 v16, v18;
	v61 =	vmul.f32 v16, v16;
	v63 =	vadd.f32 v14, v15  }
0x1c6: {  	v62 =	vmul.f32 v15, v15;
	s25 =	smul.f32 $1.562500000e-02, s25;
	(xrf2) =	vadd.scan.msk.f32 $0xffff, v40;
	v40 =	vadd.f32 v41, v54;
	v46 =	vadd.f32 v52, v46;
	s30 =	spop (v2sf)  }
0x1c7: {  	v39 =	vmul.f32 v45, v39;
	v48 =	vadd.f32 v60, v48;
	s0 =	smul.f32 $1.562500000e-02, s30;
	v42 =	vadd.f32 v63, v42  }
0x1c8: {  	v38 =	vmul.f32 v38, v47;
	v43 =	vadd.f32 v61, v43;
	s31 =	smul.f32 s25, s25;
	v51 =	vadd.f32 v59, v62  }
0x1c9: {  	v39 =	vmul.f32 v39, v45;
	v30 =	vadd.f32 v30, v57;
	v57 =	vmul.f32 v44, v50;
	(xrf2) =	vadd.scan.msk.f32 $0xffff, v42  }
0x1ca: {  	v61 =	vmul.f32 v29, v29;
	v59 =	vsub.f32 $1.500000000e+00, v38;
	s0 =	ssub.f32 s0, s31;
	v56 =	vadd.f32 v51, v43  }
0x1cb: {  	v62 =	vadd.f32 v30, v29;
	v63 =	vmul.f32 v30, v30;
	v43 =	vsub.f32 $1.500000000e+00, v57  }
0x1cc: {  	v39 =	vsub.f32 $1.500000000e+00, v39;
	v42 =	vsub.f32 v13, v25;
	s0 =	sadd.f32 $9.999999960e-13, s0  }
0x1cd: {  	s24 =	sadd.s32 $0x4, s24;
	v40 =	vadd.f32 v62, v40;
	v49 =	vadd.f32 v63, v61;
	v62 =	vmul.f32 v43, v50  }
0x1ce: {  	p0 =	slt.u32 s24, $0xFC;
	v43 =	vmul.f32 v39, v45;
	v50 =	vsub.f32 v12, v25;
	v58 =	vmov s0  }
.Ltmp1:
0x1cf: {  	v49 =	vadd.f32 v49, v48;
	v60 =	vshra.s32 v58, $0x1;
	v38 =	vmul.f32 $5.000000000e-01, v58;
	(pc) =	sbr.rel @p0 .LBB2_5-.Ltmp1, $4  }
0x1d0: {  	v13 =	vmovc v54;
	v12 =	vmovc v41;
	v48 =	vmul.f32 v59, v47;
	v44 =	vmul.f32 v62, v34;
	v51 =	vsub.s32 $0x5F3759DF, v60  }
0x1d1: {  	(xrf2) =	vadd.scan.msk.f32 $0xffff, v40;
	v47 =	vsub.f32 v23, v25;
	v45 =	vmul.f32 v62, v35;
	v63 =	vmul.f32 v51, v38  }
0x1d2: {  	v34 =	vmul.f32 v62, v36;
	v35 =	vmul.f32 v62, v37;
	v61, _, _ =	vpop (xrf2);
	(xrf2) =	vadd.scan.msk.f32 $0xffff, v46;
	v46 =	vsub.f32 v22, v25  }
0x1d3: {  	v25 =	vadd.f32 v27, v4;
	(v2sf) =	vpush v61, $0xF;
	(xrf2) =	vadd.scan.msk.f32 $0xffff, v56;
	v23 =	vmul.f32 v51, v63;
	v22, _, _ =	vpop (xrf2)  }
0x1d4: {  	_ =	sdelay $0x5  }
0x1d5: {  	(xrf2) =	vadd.scan.msk.f32 $0xffff, v49  }
0x1d6: {  	(v2sf) =	vpush v22, $0xF;
	v56, _, _ =	vpop (xrf2)  }
0x1d7: {  	(v2sf) =	vpush v56, $0xF;
	v57, _, _ =	vpop (xrf2)  }
0x1d8: {  	(v2sf) =	vpush v57, $0xF  }
0x1d9: {  	v58, _, _ =	vpop (xrf2)  }
0x1da: {  	(v2sf) =	vpush v58, $0xF;
	_ =	sdelay $0x4  }
0x1db: {  	v59, _, _ =	vpop (xrf2)  }
0x1dc: {  	(v2sf) =	vpush v59, $0xF  }
0x1dd: {  	v60 =	vsub.f32 $1.500000000e+00, v23  }
0x1de: {  	v27 =	vmul.f32 v48, v28;
	v62 =	vmul.f32 v48, v31  }
0x1df: {  	v63 =	vmul.f32 v48, v32;
	v22 =	vmul.f32 v51, v60  }
0x1e0: {  	v49 =	vmul.f32 v48, v33;
	v36 =	vmul.f32 v43, v50;
	s0 =	spop (v2sf)  }
0x1e1: {  	v37 =	vmul.f32 v43, v47;
	v61 =	vmul.f32 v22, v38;
	s1 =	spop (v2sf);
	s14 =	smul.f32 $1.562500000e-02, s0  }
0x1e2: {  	v39 =	vmul.f32 v44, v0;
	v40 =	vmul.f32 v43, v46;
	s13 =	smul.f32 $1.562500000e-02, s1;
	s31 =	spop (v2sf)  }
0x1e3: {  	v41 =	vmul.f32 v45, v1;
	v23 =	vmul.f32 v61, v22;
	s3 =	smul.f32 s14, s14;
	s4 =	spop (v2sf)  }
0x1e4: {  	v52 =	vmul.f32 v34, v2;
	v53 =	vmul.f32 v35, v3;
	v26 =	vadd.f32 v26, v6;
	s1 =	smul.f32 $1.562500000e-02, s4  }
0x1e5: {  	v27 =	vmul.f32 v27, v0;
	v28 =	vmul.f32 v62, v1;
	v23 =	vsub.f32 $1.500000000e+00, v23;
	s4 =	smul.f32 s13, s13;
	s6 =	spop (v2sf)  }
0x1e6: {  	v39 =	vadd.f32 v39, v4;
	v31 =	vmul.f32 v63, v2;
	v32 =	vmul.f32 v49, v3;
	s6 =	smul.f32 $1.562500000e-02, s6  }
0x1e7: {  	v41 =	vadd.f32 v41, v5;
	v36 =	vmul.f32 v36, v1;
	v22 =	vmul.f32 v23, v22;
	s1 =	ssub.f32 s1, s3  }
0x1e8: {  	v34 =	vadd.f32 v53, v7;
	v37 =	vmul.f32 v37, v2;
	v51 =	vmul.f32 v43, v42;
	s6 =	ssub.f32 s6, s4  }
0x1e9: {  	v40 =	vmul.f32 v40, v3;
	v27 =	vadd.f32 v27, v4;
	v54 =	vmul.f32 v22, v38;
	s0 =	smul.f32 $1.562500000e-02, s31;
	s1 =	sadd.f32 $9.999999960e-13, s1  }
0x1ea: {  	v28 =	vadd.f32 v28, v5;
	v33 =	vmul.f32 v51, v0;
	v23 =	vadd.f32 v24, v5;
	s3 =	sadd.f32 $9.999999960e-13, s6  }
0x1eb: {  	v24 =	vadd.f32 v52, v6;
	v35 =	vmul.f32 v54, v22;
	s18 =	smul.f32 s0, s0;
	s22 =	spop (v2sf);
	v55 =	vmov s1  }
0x1ec: {  	v56 =	vmov s3;
	s3 =	smul.f32 $1.562500000e-02, s22;
	v57 =	vshra.s32 v55, $0x1;
	v38 =	vmul.f32 $5.000000000e-01, v55  }
0x1ed: {  	v52 =	vmov s25;
	v35 =	vsub.f32 $1.500000000e+00, v35;
	v43 =	vsub.s32 $0x5F3759DF, v57  }
0x1ee: {  	v59 =	vshra.s32 v56, $0x1;
	v42 =	vmul.f32 $5.000000000e-01, v56;
	s1 =	ssub.f32 s3, s18;
	v58 =	vmul.f32 v43, v38  }
0x1ef: {  	v11 =	vsub.f32 v11, v52;
	v22 =	vmul.f32 v35, v22;
	v35 =	vsub.s32 $0x5F3759DF, v59  }
0x1f0: {  	v31 =	vadd.f32 v31, v6;
	v62 =	vmul.f32 v35, v42;
	s1 =	sadd.f32 $9.999999960e-13, s1;
	v44 =	vmul.f32 v43, v58  }
0x1f1: {  	v10 =	vsub.f32 v10, v52;
	v8 =	vsub.f32 v8, v52;
	v11 =	vmul.f32 v22, v11  }
0x1f2: {  	v47 =	vmul.f32 v35, v62;
	v60 =	vmov s1;
	v44 =	vsub.f32 $1.500000000e+00, v44  }
0x1f3: {  	v10 =	vmul.f32 v22, v10;
	v61 =	vshra.s32 v60, $0x1;
	v45 =	vmul.f32 $5.000000000e-01, v60  }
0x1f4: {  	v47 =	vsub.f32 $1.500000000e+00, v47;
	v46 =	vsub.s32 $0x5F3759DF, v61;
	v43 =	vmul.f32 v43, v44  }
0x1f5: {  	v9 =	vsub.f32 v9, v52;
	v8 =	vmul.f32 v22, v8;
	v63 =	vmul.f32 v46, v45  }
0x1f6: {  	v32 =	vadd.f32 v32, v7;
	v35 =	vmul.f32 v35, v47;
	v53 =	vmul.f32 v43, v38  }
0x1f7: {  	v36 =	vadd.f32 v36, v5;
	v9 =	vmul.f32 v22, v9;
	v48 =	vmul.f32 v46, v63  }
0x1f8: {  	v37 =	vadd.f32 v37, v6;
	v54 =	vmul.f32 v35, v42;
	v47 =	vmul.f32 v53, v43  }
0x1f9: {  	v11 =	vmul.f32 v11, v3;
	v10 =	vmul.f32 v10, v0;
	v48 =	vsub.f32 $1.500000000e+00, v48  }
0x1fa: {  	[tilespmem:s23+$0x40] =	vst v25;
	v8 =	vmul.f32 v8, v1;
	v56 =	vmul.f32 v54, v35;
	v59 =	vsub.f32 $1.500000000e+00, v47  }
0x1fb: {  	[tilespmem:s23+$0x60] =	vst v26;
	v33 =	vadd.f32 v33, v4;
	v9 =	vmul.f32 v9, v2;
	v46 =	vmul.f32 v46, v48  }
0x1fc: {  	[tilespmem:s23+$0x50] =	vst v23;
	v11 =	vadd.f32 v11, v7;
	v60 =	vsub.f32 $1.500000000e+00, v56;
	v23 =	vmul.f32 v59, v43  }
0x1fd: {  	[tilespmem:s23+$0xFFFFFF80] =	vst v39;
	v10 =	vadd.f32 v10, v4;
	v8 =	vadd.f32 v8, v5;
	v48 =	vmul.f32 v46, v45  }
0x1fe: {  	[tilespmem:s23+$0xFFFFFF90] =	vst v41;
	v9 =	vadd.f32 v9, v6;
	v26 =	vmul.f32 v60, v35;
	v41 =	vmul.f32 v23, v38  }
0x1ff: {  	[tilespmem:s23+$0xFFFFFFB0] =	vst v34;
	v55 =	vadd.f32 v40, v7;
	v58 =	vmov s14;
	v57 =	vmul.f32 v48, v46  }
0x200: {  	[tilespmem:s23+$0xFFFFFFC0] =	vst v27;
	v21 =	vsub.f32 v21, v58;
	v44 =	vmul.f32 v26, v42;
	v47 =	vmul.f32 v41, v23  }
0x201: {  	[tilespmem:s23+$0xFFFFFFD0] =	vst v28;
	v62 =	vmov s13;
	v20 =	vsub.f32 v20, v58;
	v61 =	vsub.f32 $1.500000000e+00, v57  }
0x202: {  	[tilespmem:s23+$0xFFFFFFE0] =	vst v31;
	v19 =	vsub.f32 v19, v58;
	v48 =	vmul.f32 v44, v26;
	v22 =	vsub.f32 $1.500000000e+00, v47  }
0x203: {  	[tilespmem:s23+$0xFFFFFFF0] =	vst v32;
	v17 =	vsub.f32 v17, v58;
	v18 =	vsub.f32 v18, v62;
	v40 =	vmul.f32 v61, v46  }
0x204: {  	[tilespmem:s23+$0xFFFFFFA0] =	vst v24;
	v16 =	vsub.f32 v16, v62;
	v24 =	vsub.f32 $1.500000000e+00, v48;
	v22 =	vmul.f32 v22, v23  }
0x205: {  	[tilespmem:s23+$0x10] =	vst v36;
	v15 =	vsub.f32 v15, v62;
	v14 =	vsub.f32 v14, v62;
	v46 =	vmul.f32 v40, v45  }
0x206: {  	[tilespmem:s23+$0x20] =	vst v37;
	v63 =	vmov s0;
	v50 =	vmul.f32 v24, v26;
	v21 =	vmul.f32 v22, v21  }
0x207: {  	s24 =	sadd.s32 $0x100, s23;
	[tilespmem:s23+$0x0] =	vst v33;
	v13 =	vsub.f32 v13, v63;
	v20 =	vmul.f32 v22, v20;
	v54 =	vmul.f32 v22, v19  }
0x208: {  	[tilespmem:s24+$0x70] =	vst v11;
	v12 =	vsub.f32 v12, v63;
	v17 =	vmul.f32 v22, v17;
	v49 =	vmul.f32 v46, v40  }
0x209: {  	[tilespmem:s23+$0x30] =	vst v55;
	v52 =	vsub.f32 v29, v63;
	v18 =	vmul.f32 v50, v18;
	v55 =	vmul.f32 v21, v0  }
0x20a: {  	[tilespmem:s24+$0x40] =	vst v10;
	v53 =	vsub.f32 v30, v63;
	v16 =	vmul.f32 v50, v16;
	v56 =	vmul.f32 v20, v1  }
0x20b: {  	[tilespmem:s24+$0x50] =	vst v8;
	v57 =	vmul.f32 v17, v3;
	v27 =	vsub.f32 $1.500000000e+00, v49;
	v8 =	vadd.f32 v55, v4  }
0x20c: {  	[tilespmem:s24+$0x60] =	vst v9;
	v15 =	vmul.f32 v50, v15;
	v11 =	vmul.f32 v54, v2;
	v10 =	vadd.f32 v56, v5  }
0x20d: {  	v60 =	vmul.f32 v16, v1;
	v9 =	vadd.f32 v57, v7;
	v51 =	vmul.f32 v27, v40;
	[tilespmem:s24+$0xFFFFFF80] =	vst v8  }
0x20e: {  	v59 =	vmul.f32 v50, v14;
	v58 =	vmul.f32 v18, v0;
	v8 =	vadd.f32 v11, v6;
	[tilespmem:s24+$0xFFFFFF90] =	vst v10  }
0x20f: {  	v62 =	vmul.f32 v15, v2;
	v14 =	vadd.f32 v60, v5;
	[tilespmem:s24+$0xFFFFFFB0] =	vst v9;
	v61 =	vmul.f32 v51, v13  }
0x210: {  	v11 =	vmul.f32 v59, v3;
	v12 =	vmul.f32 v51, v12;
	[tilespmem:s24+$0xFFFFFFA0] =	vst v8;
	v8 =	vadd.f32 v58, v4  }
0x211: {  	v63 =	vmul.f32 v51, v52;
	v13 =	vadd.f32 v62, v6;
	[tilespmem:s24+$0xFFFFFFD0] =	vst v14;
	v10 =	vmul.f32 v61, v0  }
0x212: {  	v11 =	vadd.f32 v11, v7;
	v12 =	vmul.f32 v12, v1;
	[tilespmem:s24+$0xFFFFFFC0] =	vst v8;
	v8 =	vmul.f32 v51, v53  }
0x213: {  	s10 =	sadd.s32 $0x1, s10;
	v9 =	vmul.f32 v63, v2;
	[tilespmem:s24+$0xFFFFFFE0] =	vst v13;
	v10 =	vadd.f32 v10, v4  }
0x214: {  	p0 =	sne.s32 s10, $0x32;
	[tilespmem:s24+$0xFFFFFFF0] =	vst v11;
	v12 =	vadd.f32 v12, v5;
	v8 =	vmul.f32 v8, v3  }
.Ltmp2:
0x215: {  	v9 =	vadd.f32 v9, v6;
	[tilespmem:s24+$0x0] =	vst v10;
	(pc) =	sbr.rel @p0 .LBB2_2-.Ltmp2, $4  }
0x216: {  	s30 =	rddreg [dreg:$0x5];
	s20 =	sadd.s32 $0x200, s20;
	s25 =	sshll.u32 s12, $0x3;
	[tilespmem:s24+$0x10] =	vst v12;
	v8 =	vadd.f32 v8, v7  }
0x217: {  	s26 =	sadd.s32 $0x200, s26;
	s31 =	simm.s32 $0x14400;
	s1 =	sand.u32 $0x1FFFF800, s25;
	[tilespmem:s24+$0x20] =	vst v9  }
0x218: {  	s22 =	smov.u32 s5;
	s0 =	sadd.s32 s30, s1;
	s1 =	smov.u32 s2;
	[tilespmem:s24+$0x30] =	vst v8  }
0x219: {  	[hbm4b:s0+s7] =	stream.linear.scatter [tilespmem:s31], [sflag:$0x4], $0x4000, $0x38;
	[tilespmem:$0x1B680] =	vst v63  }
0x21a: {  	s0 =	simm.s32 $0x3  }
0x21b: {  	_ =	swait.ge [sflag:s0], $0x4000  }
0x21c: {  	[sflag:s0] =	ssyncset.done $0x0  }
0x21d: {  	s2 =	simm.s32 $0x4;
	[sflag:s0] =	ssyncadd.s32 $0xFFFFC000  }
0x21e: {  	_ =	swait.ge [sflag:s2], $0x4000  }
0x21f: {  	s3 =	rddreg [dreg:$0xd]  }
0x220: {  	s31 =	rddreg [dreg:$0xc];
	s3 =	sadd.s32 $0x1, s3  }
0x221: {  	p0 =	sne.s32 s3, s31  }
.Ltmp3:
0x222: {  	_ = 	snop;
	(pc) =	sbr.rel @p0 .LBB2_1-.Ltmp3, $3  }
0x223: {  	_ =	sdelay $0x1  }
0x224: {  	[sflag:s2] =	ssyncset.done $0x0  }
0x225: {  	[sflag:s2] =	ssyncadd.s32 $0xFFFFC000  }
0x226: {  	_ =	sfence.sel $0x180000  }
0x227: {  	[bflag:$0x0] =	sbarrier.arrive $0xFFFF  }
0x228: {  	_ =	strace $0x90000047  }
0x229: {  	s0 =	stileid.u32;
	[bflag:$0x2] =	sbarrier.arrive $0xFFFF  }
0x22a: {  	p0 =	sne.s32 s0, $0x0;
	s0 =	rddreg [dreg:$0x6]  }
0x22b: {  	s0 =	sadd.s32 @!p0 $0x100000, s0  }
0x22c: {  	[sflag:s0] =	ssyncadd.tile.s32 @!p0 $0x1;
	_ =	shalt  }
.Lfunc_end2:
_tile_overlayer_lowered:
.L_overlay_start_2:
0x22d: {  	(tag) =	ssettag $0x2  }
0x22e: {  	s0 =	rddreg [dreg:$0x0];
	s2 =	stileid.u32  }
0x22f: {  	s1 =	rddreg [dreg:$0x1];
	p0 =	sne.s32 s2, $0x0  }
0x230: {  	s3 =	rddreg [dreg:$0x2];
	[bflag:$0x3] =	sbarrier.arrive $0xFFFF;
	s2 =	simm.s32 @!p0 $0x1C05  }
0x231: {  	[timem:s3], [sflag:s2] =	dma.local @!p0 [hbm:s0], s1  }
0x232: {  	s0 =	simm.s32 @!p0 $0x5  }
0x233: {  	_ =	swait.ge @!p0 [sflag:s0], s1  }
0x234: {  	s1 =	ssub.s32 @!p0 $0x0, s1;
	[sflag:s0] =	ssyncset.done @!p0 $0x0  }
0x235: {  	[sflag:s0] =	ssyncadd.s32 @!p0 s1  }
0x236: {  	[bflag:$0x3] =	sbarrier.arrive $0xFFFF  }
0x237: {  	_ =	shalt  }

// kernel: sparse-core-data-format-call.cloned.1.call-start
scs
called_computation_lowered:
.L_overlay_start_0:
0x0: {  	s2 =	sld [smem:$0x3FD9]  }
0x1: {  	s3 =	sld [smem:$0x3FFE];
	_ =	sdelay $0x1  }
0x2: {  	s1 =	srdreg.scid  }
0x3: {  	s0 =	sand.u32 $0x1, s1  }
0x4: {  	s18 =	sshll.u32 s0, $0xA;
	s2 =	sadd.s32 s3, s2  }
0x5: {  	s2 =	sadd.s32 s2, s18  }
0x6: {  	[smem:$0x3FC1] =	sst s2  }
0x7: {  	_ = 	snop  }
0x8: {  	s2 =	sld [smem:$0x3FD0];
	(tm) =	ssettm $0x1  }
0x9: {  	s19 =	sld [smem:$0x3FFB];
	_ =	sdelay $0x3  }
0xa: {  	_ =	strace s19  }
0xb: {  	s3 =	sld [smem:$0x3FFC];
	_ =	sdelay $0x3  }
0xc: {  	_ =	strace s3  }
0xd: {  	s3 =	sld [smem:$0x3FFD];
	_ =	sdelay $0x3  }
0xe: {  	_ =	strace s3  }
0xf: {  	_ =	strace $0x8FFFFFFF  }
0x10: {  	s20 =	sld [smem:$0x3FDB];
	_ =	sdelay $0x1  }
0x11: {  	s4 =	simm.s32 $_scs_section_size  }
0x12: {  	s5 =	simm.s32 $_size__tile_overlayer_lowered;
	s6 =	simm.s32 $_tile_overlayer_lowered  }
0x13: {  	s23 =	simm.s32 $0x1BFF;
	s22 =	sshll.u32 s6, $0x1;
	s3 =	sadd.s32 s4, s20  }
0x14: {  	s7 =	simm.s32 $0x0;
	s21 =	sshll.u32 s5, $0x1;
	s5 =	sadd.s32 s22, s3  }
0x15: {  	[timem:s7], [sflag:s23] =	dma.local [hbm:s5], s21  }
0x16: {  	_ =	swait.ge [sflag:s23], s21  }
0x17: {  	s4 =	ssub.s32 $0x0, s21;
	[sflag:s23] =	ssyncset.done $0x0  }
0x18: {  	[sflag:s23] =	ssyncadd.s32 s4;
	_ =	sdelay $0x1  }
0x19: {  	s24 =	simm.s32 $0x1B8B  }
0x1a: {  	_ =	swait.ge [sflag:s24], $0x1  }
0x1b: {  	[sflag:s24] =	ssyncset.done $0x0  }
0x1c: {  	s26 =	simm.s32 $0x1B8E;
	s25 =	sld [smem:$0x3FFE];
	[sflag:s24] =	ssyncadd.s32 $0xFFFFFFFF  }
0x1d: {  	s27 =	simm.s32 $execute0_lowered;
	[smem:$0x3FD2] =	sst s26  }
0x1e: {  	s5 =	sshll.u32 s27, $0x1;
	_ =	strace $0x80000049;
	[dreg:$0x1] =	wrdreg $0xFFFFFFFF  }
0x1f: {  	s28 =	simm.s32 $_size_execute0_lowered;
	s3 =	sadd.s32 s3, s5;
	[dreg:$0x0] =	wrdreg $0x0  }
0x20: {  	s5 =	sshll.u32 s28, $0x1;
	[dreg:$0x2] =	wrdreg s3  }
0x21: {  	[dreg:$0x3] =	wrdreg s5  }
0x22: {  	[dreg:$0x4] =	wrdreg $0xC0  }
0x23: {  	_ =	task [dreg:s7], $0x5FFFF  }
0x24: {  	[dreg:$0x1] =	wrdreg $0xFFFFFFFF  }
0x25: {  	[dreg:$0x0] =	wrdreg $0x60  }
0x26: {  	[dreg:$0x2] =	wrdreg s25  }
0x27: {  	[dreg:$0x3] =	wrdreg s2  }
0x28: {  	[dreg:$0x4] =	wrdreg $0x9  }
0x29: {  	_ =	task.clear_ibuf [dreg:s7], $0x5FFFF;
	_ =	strace $0x90000049  }
0x2a: {  	s29 =	simm.s32 $0x9;
	_ =	strace $0x8000004B  }
0x2b: {  	_ =	swait.ge [sflag:s29], $0x1  }
0x2c: {  	[sflag:s29] =	ssyncadd.s32 $0xFFFFFFFF  }
0x2d: {  	_ =	strace $0x9000004B  }
0x2e: {  	_ =	sfence  }
0x2f: {  	s30 =	sld [smem:$0x0];
	_ =	sdelay $0x2  }
0x30: {  	s31 =	sshll.u32 s1, $0xD;
	s1 =	sshrl.u32 s1, $0x2  }
0x31: {  	s3 =	sand.u32 $0x4000, s31;
	s1 =	sadd.s32 s1, s30  }
0x32: {  	s0 =	sor.u32 s3, s0;
	s1 =	sshll.u32 s1, $0x11  }
0x33: {  	s0 =	sor.u32 s1, s0  }
0x34: {  	s0 =	sadd.s32 $0x8F2B, s0  }
0x35: {  	[sflag:s0] =	ssyncadd.remote.s32 $0x1  }
0x36: {  	_ =	sfence.sel $0xFFFF  }
0x37: {  	[dreg:$0x0] =	wrdreg $0xFFFFFFFF;
	(pc) =	sbr.abs _section_cstart, $3  }
0x38: {  	[dreg:$0x1] =	wrdreg $0xFFFFFFFF  }
0x39: {  	_ =	task.clear_ibuf [dreg:s7], $0x2FFFF;
	_ =	strace $0x9FFFFFFF  }
0x3a: {  	(tm) =	ssettm $0x7FFFFFFF  }
0x3b: {  	_ =	shalt  }
tec
execute0_lowered:
.L_overlay_start_1:
0x0: {  	(tag) =	ssettag $0x1  }
0x1: {  	s0 =	srdreg.scid  }
0x2: {  	s1 =	sshll.u32 s0, $0x4  }
0x3: {  	s4 =	rddreg [dreg:$0x0];
	s0 =	stileid.u32;
	s1 =	sand.u32 $0x10, s1  }
0x4: {  	s2 =	rddreg [dreg:$0x1];
	s7 =	simm.s32 $0x1;
	s1 =	sor.u32 s0, s1  }
0x5: {  	s8 =	simm.s32 $0x2;
	s11 =	simm.s32 $0x0;
	s3 =	sshll.u32 s1, $0x7  }
0x6: {  	s10 =	simm.s32 $0x0;
	s4 =	sadd.s32 $0xC00, s4;
	s6 =	ssub.s32 $0xC8000, s3  }
.Ltmp0:
0x7: {  	s1 =	rddreg [dreg:$0x2];
	s5 =	sand.u32 $0xF80, s6;
	(pc) =	sbr.rel .LBB1_1-.Ltmp0, $4  }
0x8: {  	_ =	strace $0x8000004A;
	s9 =	smov.u32 s3;
	p0 =	sne.s32 s5, $0x0  }
0x9: {  	s6 =	sshrl.u32 s6, $0xC;
	s5 =	simm.s32 $0x1;
	s7 =	simm.s32 @!p0 $0x0  }
0xa: {  	[sflag:s5] =	ssyncpa.u1 $0x0;
	p0 =	por $0x0, $0x0;
	s6 =	sadd.s32 s7, s6  }
0xb: {  	[sflag:s8] =	ssyncpa.u1 $0x0;
	s8 =	simm.s32 $0x640000;
	s7 =	sadd.s32 $0x1, s6  }
.LBB1_4:
0xc: {  	s14 =	sshll.u32 s11, $0x3  }
0xd: {  	s30 =	sand.u32 $0x7F, s11;
	s15 =	sand.u32 $0xFFFFFC00, s14  }
0xe: {  	s11 =	sor.u32 s30, s15  }
0xf: {  	s15 =	smulhi.u32 $0x51EB851F, s11  }
0x10: {  	s14 =	smulhi.u32 $0x51EB851F, s14  }
0x11: {  	s15 =	sshrl.u32 s15, $0x12  }
0x12: {  	s14 =	sshrl.u32 s14, $0x12;
	s15 =	smul.u32 $0xC8000, s15  }
0x13: {  	s14 =	sand.u32 $0x3F, s14  }
0x14: {  	s14 =	smul.u32 $0x19000, s14;
	s11 =	ssub.s32 s11, s15  }
0x15: {  	[tilespmem:s13+$0x810 ss:$0x81] =	vst.msk $0xffff, v2;
	s15 =	sand.u32 $0x7, s11  }
0x16: {  	[tilespmem:s13+$0x1020 ss:$0x81] =	vst.msk $0xffff, v0;
	s14 =	sadd.s32 s2, s14;
	s11 =	sshrl.u32 s11, $0x3;
	s15 =	sshll.u32 s15, $0x12  }
0x17: {  	[tilespmem:s13+$0x0 ss:$0x81] =	vst.msk $0xffff, v1;
	s11 =	sadd.s32 s11, s14;
	s31 =	sor.u32 $0x400, s15  }
0x18: {  	[hbm4b:s11+s31] =	stream.strided.scatter [tilespmem:s12], [sflag:$0x2], $0x2000, s8, s31, $0x20;
	[tilespmem:$0x8080] =	vst v63  }
.LBB1_5:
0x19: {  	s13 =	sadd.s32 $0x1000, s9  }
0x1a: {  	p2 =	sgt.s32 s13, $0xC7FFF  }
0x1b: {  	s13 =	smov.u32 @p2 s3;
	p2 =	sne.s32 s10, s7  }
.Ltmp1:
0x1c: {  	p1 =	slt.u32 s10, $0x2;
	(pc) =	sbr.rel @!p2 .LBB1_6-.Ltmp1, $4  }
0x1d: {  	s12 =	simm.s32 @!p1 $0x2  }
0x1e: {  	s14 =	sadd.s32 $0x1, s10;
	_ =	swait.ge @!p1 [sflag:s12], $0x2000  }
0x1f: {  	s11 =	smov.u32 s9;
	p0 =	por !p0, !p0;
	[sflag:s12] =	ssyncset.done @!p1 $0x0  }
0x20: {  	s10 =	smov.u32 s14;
	s9 =	smov.u32 s13;
	[sflag:s12] =	ssyncadd.s32 @!p1 $0xFFFFE000  }
.LBB1_1:
0x21: {  	p1 =	sge.u32 s10, s6  }
0x22: {  	s12 =	sand.u32 @!p1 $0x1FFFFFF, s9  }
0x23: {  	s13 =	smulhi.u32 @!p1 $0x147AE15, s12;
	_ =	sdelay $0x1  }
0x24: {  	s13 =	sshrl.u32 @!p1 s13, $0xC  }
0x25: {  	s13 =	smul.u32 @!p1 $0xC8000, s13;
	_ =	sdelay $0x1  }
0x26: {  	s31 =	sadd.s32 $0xFFFFFFFF, s10;
	s14 =	sxor.u32 @!p1 $0xFFFFFFFF, s10;
	s12 =	ssub.s32 @!p1 s12, s13  }
0x27: {  	s15 =	simm.s32 @!p1 $0x80;
	s14 =	sshll.u32 @!p1 s14, $0xD;
	s12 =	sshll.u32 @!p1 s12, $0x4  }
0x28: {  	s13 =	sand.u32 @!p1 $0x2000, s14;
	s14 =	simm.s32 @!p1 $0x40;
	s12 =	sadd.s32 @!p1 s4, s12  }
0x29: {  	[tilespmem:s13], [sflag:$0x1] =	stream.strided.gather @!p1 [hbm4b:s12+s14], $0x2000, s15, s14, $0x38;
	[tilespmem:$0x8080] =	vst v63  }
0x2a: {  	p1 =	sge.u32 s31, s6  }
.Ltmp2:
0x2b: {  	_ = 	snop;
	(pc) =	sbr.rel @p1 .LBB1_5-.Ltmp2, $1  }
0x2c: {  	_ =	sdelay $0x3  }
0x2d: {  	s12 =	simm.s32 $0x1  }
0x2e: {  	_ =	swait.ge [sflag:s5], $0x2000;
	s12 =	simm.s32 @!p0 $0x0  }
0x2f: {  	[sflag:s5] =	ssyncset.done $0x0;
	s13 =	sshll.u32 s12, $0xD  }
0x30: {  	[sflag:s5] =	ssyncadd.s32 $0xFFFFE000;
	s16 =	sor.u32 $0x20, s13  }
0x31: {  	s12 =	smul.u32 $0x8100, s12;
	v3 =	vld [tilespmem:s16+$0x10]  }
0x32: {  	s30 =	sand.u32 $0x1, s10;
	v2 =	vld [tilespmem:s16+$0xFFFFFFF0]  }
0x33: {  	s13 =	smul.u32 $0x8100, s30;
	s12 =	sshrl.u32 s12, $0x2;
	v0 =	vld [tilespmem:s16+$0x0]  }
0x34: {  	v1 =	vld [tilespmem:s16+$0xFFFFFFE0];
	s14 =	sor.u32 $0x4000, s12  }
0x35: {  	s31 =	sshrl.u32 s13, $0x2;
	s13 =	sadd.s32 $0x0, s14  }
0x36: {  	s15 =	simm.s32 $0x4;
	s16 =	sadd.s32 $0x40, s16;
	s12 =	sor.u32 $0x4000, s31;
	[tilespmem:s13+$0x1830 ss:$0x81] =	vst.msk $0xffff, v3  }
.LBB1_3:
0x37: {  	v3 =	vld [tilespmem:s16+$0x10];
	p1 =	sne.s32 s15, $0x1FC;
	[tilespmem:s13+$0x810 ss:$0x81] =	vst.msk $0xffff, v2;
	s17 =	smov.u32 s15;
	s15 =	sadd.s32 $0x4, s15  }
.Ltmp3:
0x38: {  	v2 =	vld [tilespmem:s16+$0xFFFFFFF0];
	[tilespmem:s13+$0x1020 ss:$0x81] =	vst.msk $0xffff, v0;
	(pc) =	sbr.rel @p1 .LBB1_3-.Ltmp3, $4  }
0x39: {  	v0 =	vld [tilespmem:s16+$0x0];
	[tilespmem:s13+$0x0 ss:$0x81] =	vst.msk $0xffff, v1  }
0x3a: {  	s13 =	sshra.s32 s17, $0x2;
	v1 =	vld [tilespmem:s16+$0xFFFFFFE0]  }
0x3b: {  	s13 =	sadd.s32 s13, s14  }
0x3c: {  	s16 =	sadd.s32 $0x40, s16;
	[tilespmem:s13+$0x1830 ss:$0x81] =	vst.msk $0xffff, v3  }
.Ltmp4:
0x3d: {  	_ = 	snop;
	(pc) =	sbr.rel .LBB1_4-.Ltmp4, $1  }
0x3e: {  	_ =	sdelay $0x3  }
.LBB1_6:
0x3f: {  	_ =	sfence.sel $0x180000  }
0x40: {  	s2 =	simm.s32 $0x1;
	[bflag:$0x0] =	sbarrier.arrive $0xFFFF  }
0x41: {  	s31 =	simm.s32 $0x2;
	[sflag:s2] =	ssyncpa.u1 $0x1  }
0x42: {  	[sflag:s31] =	ssyncpa.u1 $0x1  }
0x43: {  	p0 =	sne.s32 s0, $0x0;
	_ =	strace $0x9000004A  }
0x44: {  	s0 =	sadd.s32 @!p0 $0x100000, s1;
	[bflag:$0x2] =	sbarrier.arrive $0xFFFF  }
0x45: {  	[sflag:s0] =	ssyncadd.tile.s32 @!p0 $0x1;
	_ =	shalt  }
.Lfunc_end1:
_tile_overlayer_lowered:
.L_overlay_start_2:
0x46: {  	(tag) =	ssettag $0x2  }
0x47: {  	s0 =	rddreg [dreg:$0x0];
	s2 =	stileid.u32  }
0x48: {  	s1 =	rddreg [dreg:$0x1];
	p0 =	sne.s32 s2, $0x0  }
0x49: {  	s3 =	rddreg [dreg:$0x2];
	[bflag:$0x3] =	sbarrier.arrive $0xFFFF;
	s2 =	simm.s32 @!p0 $0x1C01  }
0x4a: {  	[timem:s3], [sflag:s2] =	dma.local @!p0 [hbm:s0], s1  }
0x4b: {  	s0 =	simm.s32 @!p0 $0x1  }
0x4c: {  	_ =	swait.ge @!p0 [sflag:s0], s1  }
0x4d: {  	s1 =	ssub.s32 @!p0 $0x0, s1;
	[sflag:s0] =	ssyncset.done @!p0 $0x0  }
0x4e: {  	[sflag:s0] =	ssyncadd.s32 @!p0 s1  }
0x4f: {  	[bflag:$0x3] =	sbarrier.arrive $0xFFFF  }
0x50: {  	_ =	shalt  }

</sc_bundles>
